<compile_context>
chip_gen: v7x
topology: tpu7x:2x2x1
jax: 0.10.2.dev20260603
libtpu: 0.0.44.dev20260713+nightly
codegen_flags: <defaults>
</compile_context>

<pallas_src>
import functools
import math

import jax
import jax.numpy as jnp
from jax import lax
from jax.experimental import pallas as pl
from jax.experimental.pallas import tpu as pltpu
from jax.experimental.pallas import tpu_sc as plsc

D = 128
COEFF = math.sqrt(128.0)
LANES = 16

NC, NS = 2, 16
NW = NC * NS
B = 4096 * 50
BPW = B // NW
CHUNK = 128
NB = 5
NCHUNK = BPW // CHUNK
TGROUP = NCHUNK // NB

_mesh = plsc.VectorSubcoreMesh(core_axis_name="c", subcore_axis_name="s")


@functools.partial(
    pl.kernel,
    mesh=_mesh,
    out_type=jax.ShapeDtypeStruct((B, D), jnp.float32),
    scratch_types=(
        [pltpu.VMEM((BPW,), jnp.int32)]
        + [pltpu.VMEM((CHUNK, D), jnp.float32) for _ in range(NB)]
        + [pltpu.SemaphoreType.DMA for _ in range(2 * NB)]
    ),
)
def _emb_lookup(table_hbm, idx_hbm, out_hbm, idx_v, *bufs_and_sems):
    bufs = bufs_and_sems[:NB]
    gsem = bufs_and_sems[NB:2 * NB]
    osem = bufs_and_sems[2 * NB:]

    wid = lax.axis_index("s") * NC + lax.axis_index("c")
    base = wid * BPW

    pltpu.sync_copy(idx_hbm.at[pl.ds(base, BPW)], idx_v)

    def gather(g, b):
        pltpu.make_async_copy(
            table_hbm.at[idx_v.at[pl.ds(g * CHUNK, CHUNK)]],
            bufs[b],
            gsem[b],
        ).start()

    def wait_gather(b):
        pltpu.make_async_copy(
            table_hbm.at[idx_v.at[pl.ds(0, CHUNK)]], bufs[b], gsem[b]
        ).wait()

    def put(g, b):
        pltpu.make_async_copy(
            bufs[b], out_hbm.at[pl.ds(base + g * CHUNK, CHUNK)], osem[b]
        ).start()

    def wait_put(b):
        pltpu.make_async_copy(
            bufs[b], out_hbm.at[pl.ds(base, CHUNK)], osem[b]
        ).wait()

    LEAD = 4
    for b in range(LEAD):
        gather(b, b)

    def body(t, carry):
        for k in range(NB):
            b = k
            bn = (k + LEAD) % NB
            g = t * NB + k
            @pl.when(g + LEAD < NCHUNK)
            def _issue():
                @pl.when(g >= NB - LEAD)
                def _drain():
                    wait_put(bn)
                gather(g + LEAD, bn)

            wait_gather(b)

            def row_body(i, c):
                for j in range(D // LANES):
                    sl = pl.ds(j * LANES, LANES)
                    bufs[b][i, sl] = bufs[b][i, sl] * COEFF
                return c

            lax.fori_loop(0, CHUNK, row_body, 0, unroll=False)

            put(g, b)
        return carry

    lax.fori_loop(0, TGROUP, body, 0, unroll=False)

    for b in range(NB):
        wait_put(b)


def kernel(x, table):
    idx = x.astype(jnp.int32).T.reshape(B)
    out = _emb_lookup(table, idx)
    return out.reshape(x.shape[1], x.shape[0], D).transpose(1, 0, 2)

# --- scband reference (transcript-rebuilt; emitter-appended) ---
"""Pipeline reference for scband-embeddings-16484084483406 (READ-ONLY COPY).

The authoritative reference and input builder live on the scoring server;
editing this copy changes nothing except your own understanding.
"""

import jax, jax.numpy as jnp
import numpy as np
import math

VOCAB_SIZE = 100000
D_MODEL = 128
BATCH = 4096
SEQ = 50

def setup_inputs(seed: int = 0) -> dict:
    key = jax.random.key(seed)
    k1, k2 = jax.random.split(key)
    x = jax.random.randint(k1, (BATCH, SEQ), 0, VOCAB_SIZE, dtype=jnp.int64 if jax.config.jax_enable_x64 else jnp.int32)
    table = jax.random.normal(k2, (VOCAB_SIZE, D_MODEL), dtype=jnp.float32)
    return {"x": x, "table": table}

def reference(x, table):
    coeff = math.sqrt(D_MODEL)
    emb = jnp.take(table, x, axis=0)
    return emb * coeff

if __name__ == "__main__":
    import jax
    _d = setup_inputs()
    print(jax.jit(kernel)(*tuple(_d.values())))

</pallas_src>

<mosaic_0001>
#map = affine_map<(d0, d1) -> (0, 0)>
#map1 = affine_map<(d0, d1) -> (0)>
module attributes {stable_mosaic.version = 14 : i64} {
  func.func @_emb_lookup(%arg0: i32, %arg1: i32, %arg2: memref<100000x128xf32, #tpu.memory_space<hbm>>, %arg3: memref<204800xi32, #tpu.memory_space<hbm>>, %arg4: memref<204800x128xf32, #tpu.memory_space<hbm>>, %arg5: memref<6400xi32, #tpu.memory_space<vmem>>, %arg6: memref<128x128xf32, #tpu.memory_space<vmem>>, %arg7: memref<128x128xf32, #tpu.memory_space<vmem>>, %arg8: memref<128x128xf32, #tpu.memory_space<vmem>>, %arg9: memref<128x128xf32, #tpu.memory_space<vmem>>, %arg10: memref<128x128xf32, #tpu.memory_space<vmem>>, %arg11: memref<!tpu.dma_semaphore, #tpu.memory_space<semaphore_mem>>, %arg12: memref<!tpu.dma_semaphore, #tpu.memory_space<semaphore_mem>>, %arg13: memref<!tpu.dma_semaphore, #tpu.memory_space<semaphore_mem>>, %arg14: memref<!tpu.dma_semaphore, #tpu.memory_space<semaphore_mem>>, %arg15: memref<!tpu.dma_semaphore, #tpu.memory_space<semaphore_mem>>, %arg16: memref<!tpu.dma_semaphore, #tpu.memory_space<semaphore_mem>>, %arg17: memref<!tpu.dma_semaphore, #tpu.memory_space<semaphore_mem>>, %arg18: memref<!tpu.dma_semaphore, #tpu.memory_space<semaphore_mem>>, %arg19: memref<!tpu.dma_semaphore, #tpu.memory_space<semaphore_mem>>, %arg20: memref<!tpu.dma_semaphore, #tpu.memory_space<semaphore_mem>>) attributes {dimension_semantics = [#tpu.dimension_semantics<core_parallel>, #tpu.dimension_semantics<subcore_parallel>], iteration_bounds = array<i64: 2, 16>, scalar_prefetch = 0 : i64, scratch_operands = 16 : i64, tpu.core_type = #tpu.core_type<sc_vector_subcore>, window_params = [{transform_indices = #map}, {transform_indices = #map1}, {transform_indices = #map}]} {
    %mul3A = arith.constant 2 : i32
    %mul3A_0 = arith.muli %arg1, %mul3A : i32
    %add3A = arith.addi %mul3A_0, %arg0 : i32
    %mul3A_1 = arith.constant 6400 : i32
    %mul3A_2 = arith.muli %add3A, %mul3A_1 : i32
    "tpu.region"() ({
      %run_scoped3A = tpu.sem_alloc : memref<!tpu.dma_semaphore, #tpu.memory_space<semaphore_mem>>
      %dma_start3A_46 = tpu.memref_slice %arg3[%mul3A_2] : memref<204800xi32, #tpu.memory_space<hbm>> -> memref<6400xi32, #tpu.memory_space<hbm>>
      %dma_start3A_47 = tpu.memref_slice %arg3[%mul3A_2] : memref<204800xi32, #tpu.memory_space<hbm>> -> memref<6400xi32, #tpu.memory_space<hbm>>
      tpu.enqueue_dma source(%dma_start3A_47 : memref<6400xi32, #tpu.memory_space<hbm>>) target(%arg5 : memref<6400xi32, #tpu.memory_space<vmem>>) target_semaphore(%run_scoped3A : memref<!tpu.dma_semaphore, #tpu.memory_space<semaphore_mem>>)
      %dma_wait3A_48 = tpu.memref_slice %arg3[%mul3A_2] : memref<204800xi32, #tpu.memory_space<hbm>> -> memref<6400xi32, #tpu.memory_space<hbm>>
      %dma_wait3A_49 = tpu.memref_slice %arg3[%mul3A_2] : memref<204800xi32, #tpu.memory_space<hbm>> -> memref<6400xi32, #tpu.memory_space<hbm>>
      tpu.wait_dma2 semaphore(%run_scoped3A : memref<!tpu.dma_semaphore, #tpu.memory_space<semaphore_mem>>) src(%dma_wait3A_49 : memref<6400xi32, #tpu.memory_space<hbm>>) dst(%arg5 : memref<6400xi32, #tpu.memory_space<vmem>>)
      tpu.yield
    }) : () -> ()
    %dma_start3A = arith.constant 0 : i32
    %dma_start3A_3 = tpu.memref_slice %arg5[%dma_start3A] : memref<6400xi32, #tpu.memory_space<vmem>> -> memref<128xi32, #tpu.memory_space<vmem>>
    %dma_start3A_4 = arith.constant 0 : i32
    %dma_start3A_5 = arith.constant 0 : i32
    %dma_start3A_6 = tpu.memref_slice %arg2[%dma_start3A_4, %dma_start3A_5] : memref<100000x128xf32, #tpu.memory_space<hbm>> -> memref<100000x128xf32, #tpu.memory_space<hbm>>
    tpu.enqueue_indirect_dma source(%dma_start3A_6 : memref<100000x128xf32, #tpu.memory_space<hbm>>) target(%arg6 : memref<128x128xf32, #tpu.memory_space<vmem>>) offsets(%dma_start3A_3 : memref<128xi32, #tpu.memory_space<vmem>>) semaphore(%arg11 : memref<!tpu.dma_semaphore, #tpu.memory_space<semaphore_mem>>)
    %dma_start3A_7 = arith.constant 128 : i32
    %dma_start3A_8 = tpu.memref_slice %arg5[%dma_start3A_7] : memref<6400xi32, #tpu.memory_space<vmem>> -> memref<128xi32, #tpu.memory_space<vmem>>
    %dma_start3A_9 = arith.constant 0 : i32
    %dma_start3A_10 = arith.constant 0 : i32
    %dma_start3A_11 = tpu.memref_slice %arg2[%dma_start3A_9, %dma_start3A_10] : memref<100000x128xf32, #tpu.memory_space<hbm>> -> memref<100000x128xf32, #tpu.memory_space<hbm>>
    tpu.enqueue_indirect_dma source(%dma_start3A_11 : memref<100000x128xf32, #tpu.memory_space<hbm>>) target(%arg7 : memref<128x128xf32, #tpu.memory_space<vmem>>) offsets(%dma_start3A_8 : memref<128xi32, #tpu.memory_space<vmem>>) semaphore(%arg12 : memref<!tpu.dma_semaphore, #tpu.memory_space<semaphore_mem>>)
    %dma_start3A_12 = arith.constant 256 : i32
    %dma_start3A_13 = tpu.memref_slice %arg5[%dma_start3A_12] : memref<6400xi32, #tpu.memory_space<vmem>> -> memref<128xi32, #tpu.memory_space<vmem>>
    %dma_start3A_14 = arith.constant 0 : i32
    %dma_start3A_15 = arith.constant 0 : i32
    %dma_start3A_16 = tpu.memref_slice %arg2[%dma_start3A_14, %dma_start3A_15] : memref<100000x128xf32, #tpu.memory_space<hbm>> -> memref<100000x128xf32, #tpu.memory_space<hbm>>
    tpu.enqueue_indirect_dma source(%dma_start3A_16 : memref<100000x128xf32, #tpu.memory_space<hbm>>) target(%arg8 : memref<128x128xf32, #tpu.memory_space<vmem>>) offsets(%dma_start3A_13 : memref<128xi32, #tpu.memory_space<vmem>>) semaphore(%arg13 : memref<!tpu.dma_semaphore, #tpu.memory_space<semaphore_mem>>)
    %dma_start3A_17 = arith.constant 384 : i32
    %dma_start3A_18 = tpu.memref_slice %arg5[%dma_start3A_17] : memref<6400xi32, #tpu.memory_space<vmem>> -> memref<128xi32, #tpu.memory_space<vmem>>
    %dma_start3A_19 = arith.constant 0 : i32
    %dma_start3A_20 = arith.constant 0 : i32
    %dma_start3A_21 = tpu.memref_slice %arg2[%dma_start3A_19, %dma_start3A_20] : memref<100000x128xf32, #tpu.memory_space<hbm>> -> memref<100000x128xf32, #tpu.memory_space<hbm>>
    tpu.enqueue_indirect_dma source(%dma_start3A_21 : memref<100000x128xf32, #tpu.memory_space<hbm>>) target(%arg9 : memref<128x128xf32, #tpu.memory_space<vmem>>) offsets(%dma_start3A_18 : memref<128xi32, #tpu.memory_space<vmem>>) semaphore(%arg14 : memref<!tpu.dma_semaphore, #tpu.memory_space<semaphore_mem>>)
    %scan3A = arith.constant 0 : i32
    %scan3A_22 = arith.constant 0 : i32
    %scan3A_23 = arith.constant 10 : i32
    %scan3A_24 = arith.addi %scan3A_22, %scan3A_23 : i32
    %scan3A_25 = arith.constant 1 : i32
    scf.for %scan3A_46 = %scan3A_22 to %scan3A_24 step %scan3A_25  : i32 {
      %mul3A_47 = arith.constant 5 : i32
      %mul3A_48 = arith.muli %scan3A_46, %mul3A_47 : i32
      %add3A_49 = arith.constant 0 : i32
      %add3A_50 = arith.addi %mul3A_48, %add3A_49 : i32
      %add3A_51 = arith.constant 4 : i32
      %add3A_52 = arith.addi %add3A_50, %add3A_51 : i32
      %lt3A = arith.constant 50 : i32
      %lt3A_53 = arith.cmpi slt, %add3A_52, %lt3A : i32
      %convert_element_type3A = arith.extui %lt3A_53 : i1 to i32
      %cond3A = arith.constant 0 : i32
      %cond3A_54 = arith.cmpi ne, %convert_element_type3A, %cond3A : i32
      scf.if %cond3A_54 {
        %ge3A = arith.constant 1 : i32
        %ge3A_189 = arith.cmpi sge, %add3A_50, %ge3A : i32
        %convert_element_type3A_190 = arith.extui %ge3A_189 : i1 to i32
        %cond3A_191 = arith.constant 0 : i32
        %cond3A_192 = arith.cmpi ne, %convert_element_type3A_190, %cond3A_191 : i32
        scf.if %cond3A_192 {
          %dma_wait3A_201 = arith.constant 0 : i32
          %dma_wait3A_202 = tpu.memref_slice %arg4[%mul3A_2, %dma_wait3A_201] : memref<204800x128xf32, #tpu.memory_space<hbm>> -> memref<128x128xf32, #tpu.memory_space<hbm>>
          %dma_wait3A_203 = arith.constant 0 : i32
          %dma_wait3A_204 = tpu.memref_slice %arg4[%mul3A_2, %dma_wait3A_203] : memref<204800x128xf32, #tpu.memory_space<hbm>> -> memref<128x128xf32, #tpu.memory_space<hbm>>
          tpu.wait_dma2 semaphore(%arg20 : memref<!tpu.dma_semaphore, #tpu.memory_space<semaphore_mem>>) src(%arg10 : memref<128x128xf32, #tpu.memory_space<vmem>>) dst(%dma_wait3A_204 : memref<128x128xf32, #tpu.memory_space<hbm>>)
        } else {
        }
        %add3A_193 = arith.constant 4 : i32
        %add3A_194 = arith.addi %add3A_50, %add3A_193 : i32
        %mul3A_195 = arith.constant 128 : i32
        %mul3A_196 = arith.muli %add3A_194, %mul3A_195 : i32
        %dma_start3A_197 = tpu.memref_slice %arg5[%mul3A_196] : memref<6400xi32, #tpu.memory_space<vmem>> -> memref<128xi32, #tpu.memory_space<vmem>>
        %dma_start3A_198 = arith.constant 0 : i32
        %dma_start3A_199 = arith.constant 0 : i32
        %dma_start3A_200 = tpu.memref_slice %arg2[%dma_start3A_198, %dma_start3A_199] : memref<100000x128xf32, #tpu.memory_space<hbm>> -> memref<100000x128xf32, #tpu.memory_space<hbm>>
        tpu.enqueue_indirect_dma source(%dma_start3A_200 : memref<100000x128xf32, #tpu.memory_space<hbm>>) target(%arg10 : memref<128x128xf32, #tpu.memory_space<vmem>>) offsets(%dma_start3A_197 : memref<128xi32, #tpu.memory_space<vmem>>) semaphore(%arg15 : memref<!tpu.dma_semaphore, #tpu.memory_space<semaphore_mem>>)
      } else {
      }
      %dma_wait3A_55 = arith.constant 0 : i32
      %dma_wait3A_56 = tpu.memref_slice %arg5[%dma_wait3A_55] : memref<6400xi32, #tpu.memory_space<vmem>> -> memref<128xi32, #tpu.memory_space<vmem>>
      %dma_wait3A_57 = arith.constant 0 : i32
      %dma_wait3A_58 = arith.constant 0 : i32
      %dma_wait3A_59 = tpu.memref_slice %arg2[%dma_wait3A_57, %dma_wait3A_58] : memref<100000x128xf32, #tpu.memory_space<hbm>> -> memref<100000x128xf32, #tpu.memory_space<hbm>>
      tpu.wait_indirect_dma semaphore(%arg11 : memref<!tpu.dma_semaphore, #tpu.memory_space<semaphore_mem>>) src(%dma_wait3A_59 : memref<100000x128xf32, #tpu.memory_space<hbm>>) dst(%arg6 : memref<128x128xf32, #tpu.memory_space<vmem>>)
      %scan3A_60 = arith.constant 0 : i32
      %scan3A_61 = arith.constant 0 : i32
      %scan3A_62 = arith.constant 128 : i32
      %scan3A_63 = arith.addi %scan3A_61, %scan3A_62 : i32
      %scan3A_64 = arith.constant 1 : i32
      scf.for %scan3A_189 = %scan3A_61 to %scan3A_63 step %scan3A_64  : i32 {
        %get3A = arith.index_cast %scan3A_189 : i32 to index
        %get3A_190 = arith.constant 0 : index
        %get3A_191 = tpu.vector_load %arg6[%get3A, %get3A_190] {strides = array<i32>} : memref<128x128xf32, #tpu.memory_space<vmem>>, vector<1x16xf32>,
        %get3A_192 = vector.shape_cast %get3A_191 : vector<1x16xf32> to vector<16xf32>
        %mul3A_193 = arith.constant 11.3137083 : f32
        %mul3A_194 = vector.broadcast %mul3A_193 : f32 to vector<16xf32>
        %mul3A_195 = arith.mulf %get3A_192, %mul3A_194 : vector<16xf32>
        %swap3A = arith.index_cast %scan3A_189 : i32 to index
        %swap3A_196 = arith.constant 0 : index
        %swap3A_197 = tpu.vector_load %arg6[%swap3A, %swap3A_196] {strides = array<i32>} : memref<128x128xf32, #tpu.memory_space<vmem>>, vector<1x16xf32>,
        %swap3A_198 = vector.shape_cast %swap3A_197 : vector<1x16xf32> to vector<16xf32>
        %swap3A_199 = vector.shape_cast %mul3A_195 : vector<16xf32> to vector<1x16xf32>
        tpu.vector_store %arg6[%swap3A, %swap3A_196], %swap3A_199 {strides = array<i32>} : memref<128x128xf32, #tpu.memory_space<vmem>>, vector<1x16xf32>,
        %get3A_200 = arith.index_cast %scan3A_189 : i32 to index
        %get3A_201 = arith.constant 16 : index
        %get3A_202 = tpu.vector_load %arg6[%get3A_200, %get3A_201] {strides = array<i32>} : memref<128x128xf32, #tpu.memory_space<vmem>>, vector<1x16xf32>,
        %get3A_203 = vector.shape_cast %get3A_202 : vector<1x16xf32> to vector<16xf32>
        %mul3A_204 = arith.constant 11.3137083 : f32
        %mul3A_205 = vector.broadcast %mul3A_204 : f32 to vector<16xf32>
        %mul3A_206 = arith.mulf %get3A_203, %mul3A_205 : vector<16xf32>
        %swap3A_207 = arith.index_cast %scan3A_189 : i32 to index
        %swap3A_208 = arith.constant 16 : index
        %swap3A_209 = tpu.vector_load %arg6[%swap3A_207, %swap3A_208] {strides = array<i32>} : memref<128x128xf32, #tpu.memory_space<vmem>>, vector<1x16xf32>,
        %swap3A_210 = vector.shape_cast %swap3A_209 : vector<1x16xf32> to vector<16xf32>
        %swap3A_211 = vector.shape_cast %mul3A_206 : vector<16xf32> to vector<1x16xf32>
        tpu.vector_store %arg6[%swap3A_207, %swap3A_208], %swap3A_211 {strides = array<i32>} : memref<128x128xf32, #tpu.memory_space<vmem>>, vector<1x16xf32>,
        %get3A_212 = arith.index_cast %scan3A_189 : i32 to index
        %get3A_213 = arith.constant 32 : index
        %get3A_214 = tpu.vector_load %arg6[%get3A_212, %get3A_213] {strides = array<i32>} : memref<128x128xf32, #tpu.memory_space<vmem>>, vector<1x16xf32>,
        %get3A_215 = vector.shape_cast %get3A_214 : vector<1x16xf32> to vector<16xf32>
        %mul3A_216 = arith.constant 11.3137083 : f32
        %mul3A_217 = vector.broadcast %mul3A_216 : f32 to vector<16xf32>
        %mul3A_218 = arith.mulf %get3A_215, %mul3A_217 : vector<16xf32>
        %swap3A_219 = arith.index_cast %scan3A_189 : i32 to index
        %swap3A_220 = arith.constant 32 : index
        %swap3A_221 = tpu.vector_load %arg6[%swap3A_219, %swap3A_220] {strides = array<i32>} : memref<128x128xf32, #tpu.memory_space<vmem>>, vector<1x16xf32>,
        %swap3A_222 = vector.shape_cast %swap3A_221 : vector<1x16xf32> to vector<16xf32>
        %swap3A_223 = vector.shape_cast %mul3A_218 : vector<16xf32> to vector<1x16xf32>
        tpu.vector_store %arg6[%swap3A_219, %swap3A_220], %swap3A_223 {strides = array<i32>} : memref<128x128xf32, #tpu.memory_space<vmem>>, vector<1x16xf32>,
        %get3A_224 = arith.index_cast %scan3A_189 : i32 to index
        %get3A_225 = arith.constant 48 : index
        %get3A_226 = tpu.vector_load %arg6[%get3A_224, %get3A_225] {strides = array<i32>} : memref<128x128xf32, #tpu.memory_space<vmem>>, vector<1x16xf32>,
        %get3A_227 = vector.shape_cast %get3A_226 : vector<1x16xf32> to vector<16xf32>
        %mul3A_228 = arith.constant 11.3137083 : f32
        %mul3A_229 = vector.broadcast %mul3A_228 : f32 to vector<16xf32>
        %mul3A_230 = arith.mulf %get3A_227, %mul3A_229 : vector<16xf32>
        %swap3A_231 = arith.index_cast %scan3A_189 : i32 to index
        %swap3A_232 = arith.constant 48 : index
        %swap3A_233 = tpu.vector_load %arg6[%swap3A_231, %swap3A_232] {strides = array<i32>} : memref<128x128xf32, #tpu.memory_space<vmem>>, vector<1x16xf32>,
        %swap3A_234 = vector.shape_cast %swap3A_233 : vector<1x16xf32> to vector<16xf32>
        %swap3A_235 = vector.shape_cast %mul3A_230 : vector<16xf32> to vector<1x16xf32>
        tpu.vector_store %arg6[%swap3A_231, %swap3A_232], %swap3A_235 {strides = array<i32>} : memref<128x128xf32, #tpu.memory_space<vmem>>, vector<1x16xf32>,
        %get3A_236 = arith.index_cast %scan3A_189 : i32 to index
        %get3A_237 = arith.constant 64 : index
        %get3A_238 = tpu.vector_load %arg6[%get3A_236, %get3A_237] {strides = array<i32>} : memref<128x128xf32, #tpu.memory_space<vmem>>, vector<1x16xf32>,
        %get3A_239 = vector.shape_cast %get3A_238 : vector<1x16xf32> to vector<16xf32>
        %mul3A_240 = arith.constant 11.3137083 : f32
        %mul3A_241 = vector.broadcast %mul3A_240 : f32 to vector<16xf32>
        %mul3A_242 = arith.mulf %get3A_239, %mul3A_241 : vector<16xf32>
        %swap3A_243 = arith.index_cast %scan3A_189 : i32 to index
        %swap3A_244 = arith.constant 64 : index
        %swap3A_245 = tpu.vector_load %arg6[%swap3A_243, %swap3A_244] {strides = array<i32>} : memref<128x128xf32, #tpu.memory_space<vmem>>, vector<1x16xf32>,
        %swap3A_246 = vector.shape_cast %swap3A_245 : vector<1x16xf32> to vector<16xf32>
        %swap3A_247 = vector.shape_cast %mul3A_242 : vector<16xf32> to vector<1x16xf32>
        tpu.vector_store %arg6[%swap3A_243, %swap3A_244], %swap3A_247 {strides = array<i32>} : memref<128x128xf32, #tpu.memory_space<vmem>>, vector<1x16xf32>,
        %get3A_248 = arith.index_cast %scan3A_189 : i32 to index
        %get3A_249 = arith.constant 80 : index
        %get3A_250 = tpu.vector_load %arg6[%get3A_248, %get3A_249] {strides = array<i32>} : memref<128x128xf32, #tpu.memory_space<vmem>>, vector<1x16xf32>,
        %get3A_251 = vector.shape_cast %get3A_250 : vector<1x16xf32> to vector<16xf32>
        %mul3A_252 = arith.constant 11.3137083 : f32
        %mul3A_253 = vector.broadcast %mul3A_252 : f32 to vector<16xf32>
        %mul3A_254 = arith.mulf %get3A_251, %mul3A_253 : vector<16xf32>
        %swap3A_255 = arith.index_cast %scan3A_189 : i32 to index
        %swap3A_256 = arith.constant 80 : index
        %swap3A_257 = tpu.vector_load %arg6[%swap3A_255, %swap3A_256] {strides = array<i32>} : memref<128x128xf32, #tpu.memory_space<vmem>>, vector<1x16xf32>,
        %swap3A_258 = vector.shape_cast %swap3A_257 : vector<1x16xf32> to vector<16xf32>
        %swap3A_259 = vector.shape_cast %mul3A_254 : vector<16xf32> to vector<1x16xf32>
        tpu.vector_store %arg6[%swap3A_255, %swap3A_256], %swap3A_259 {strides = array<i32>} : memref<128x128xf32, #tpu.memory_space<vmem>>, vector<1x16xf32>,
        %get3A_260 = arith.index_cast %scan3A_189 : i32 to index
        %get3A_261 = arith.constant 96 : index
        %get3A_262 = tpu.vector_load %arg6[%get3A_260, %get3A_261] {strides = array<i32>} : memref<128x128xf32, #tpu.memory_space<vmem>>, vector<1x16xf32>,
        %get3A_263 = vector.shape_cast %get3A_262 : vector<1x16xf32> to vector<16xf32>
        %mul3A_264 = arith.constant 11.3137083 : f32
        %mul3A_265 = vector.broadcast %mul3A_264 : f32 to vector<16xf32>
        %mul3A_266 = arith.mulf %get3A_263, %mul3A_265 : vector<16xf32>
        %swap3A_267 = arith.index_cast %scan3A_189 : i32 to index
        %swap3A_268 = arith.constant 96 : index
        %swap3A_269 = tpu.vector_load %arg6[%swap3A_267, %swap3A_268] {strides = array<i32>} : memref<128x128xf32, #tpu.memory_space<vmem>>, vector<1x16xf32>,
        %swap3A_270 = vector.shape_cast %swap3A_269 : vector<1x16xf32> to vector<16xf32>
        %swap3A_271 = vector.shape_cast %mul3A_266 : vector<16xf32> to vector<1x16xf32>
        tpu.vector_store %arg6[%swap3A_267, %swap3A_268], %swap3A_271 {strides = array<i32>} : memref<128x128xf32, #tpu.memory_space<vmem>>, vector<1x16xf32>,
        %get3A_272 = arith.index_cast %scan3A_189 : i32 to index
        %get3A_273 = arith.constant 112 : index
        %get3A_274 = tpu.vector_load %arg6[%get3A_272, %get3A_273] {strides = array<i32>} : memref<128x128xf32, #tpu.memory_space<vmem>>, vector<1x16xf32>,
        %get3A_275 = vector.shape_cast %get3A_274 : vector<1x16xf32> to vector<16xf32>
        %mul3A_276 = arith.constant 11.3137083 : f32
        %mul3A_277 = vector.broadcast %mul3A_276 : f32 to vector<16xf32>
        %mul3A_278 = arith.mulf %get3A_275, %mul3A_277 : vector<16xf32>
        %swap3A_279 = arith.index_cast %scan3A_189 : i32 to index
        %swap3A_280 = arith.constant 112 : index
        %swap3A_281 = tpu.vector_load %arg6[%swap3A_279, %swap3A_280] {strides = array<i32>} : memref<128x128xf32, #tpu.memory_space<vmem>>, vector<1x16xf32>,
        %swap3A_282 = vector.shape_cast %swap3A_281 : vector<1x16xf32> to vector<16xf32>
        %swap3A_283 = vector.shape_cast %mul3A_278 : vector<16xf32> to vector<1x16xf32>
        tpu.vector_store %arg6[%swap3A_279, %swap3A_280], %swap3A_283 {strides = array<i32>} : memref<128x128xf32, #tpu.memory_space<vmem>>, vector<1x16xf32>,
      }
      %scan3A_65 = arith.constant 128 : i32
      %mul3A_66 = arith.constant 128 : i32
      %mul3A_67 = arith.muli %add3A_50, %mul3A_66 : i32
      %add3A_68 = arith.addi %mul3A_2, %mul3A_67 : i32
      %dma_start3A_69 = arith.constant 0 : i32
      %dma_start3A_70 = tpu.memref_slice %arg4[%add3A_68, %dma_start3A_69] : memref<204800x128xf32, #tpu.memory_space<hbm>> -> memref<128x128xf32, #tpu.memory_space<hbm>>
      %dma_start3A_71 = arith.constant 0 : i32
      %dma_start3A_72 = tpu.memref_slice %arg4[%add3A_68, %dma_start3A_71] : memref<204800x128xf32, #tpu.memory_space<hbm>> -> memref<128x128xf32, #tpu.memory_space<hbm>>
      tpu.enqueue_dma source(%arg6 : memref<128x128xf32, #tpu.memory_space<vmem>>) target(%dma_start3A_72 : memref<128x128xf32, #tpu.memory_space<hbm>>) target_semaphore(%arg16 : memref<!tpu.dma_semaphore, #tpu.memory_space<semaphore_mem>>)
      %mul3A_73 = arith.constant 5 : i32
      %mul3A_74 = arith.muli %scan3A_46, %mul3A_73 : i32
      %add3A_75 = arith.constant 1 : i32
      %add3A_76 = arith.addi %mul3A_74, %add3A_75 : i32
      %add3A_77 = arith.constant 4 : i32
      %add3A_78 = arith.addi %add3A_76, %add3A_77 : i32
      %lt3A_79 = arith.constant 50 : i32
      %lt3A_80 = arith.cmpi slt, %add3A_78, %lt3A_79 : i32
      %convert_element_type3A_81 = arith.extui %lt3A_80 : i1 to i32
      %cond3A_82 = arith.constant 0 : i32
      %cond3A_83 = arith.cmpi ne, %convert_element_type3A_81, %cond3A_82 : i32
      scf.if %cond3A_83 {
        %ge3A = arith.constant 1 : i32
        %ge3A_189 = arith.cmpi sge, %add3A_76, %ge3A : i32
        %convert_element_type3A_190 = arith.extui %ge3A_189 : i1 to i32
        %cond3A_191 = arith.constant 0 : i32
        %cond3A_192 = arith.cmpi ne, %convert_element_type3A_190, %cond3A_191 : i32
        scf.if %cond3A_192 {
          %dma_wait3A_201 = arith.constant 0 : i32
          %dma_wait3A_202 = tpu.memref_slice %arg4[%mul3A_2, %dma_wait3A_201] : memref<204800x128xf32, #tpu.memory_space<hbm>> -> memref<128x128xf32, #tpu.memory_space<hbm>>
          %dma_wait3A_203 = arith.constant 0 : i32
          %dma_wait3A_204 = tpu.memref_slice %arg4[%mul3A_2, %dma_wait3A_203] : memref<204800x128xf32, #tpu.memory_space<hbm>> -> memref<128x128xf32, #tpu.memory_space<hbm>>
          tpu.wait_dma2 semaphore(%arg16 : memref<!tpu.dma_semaphore, #tpu.memory_space<semaphore_mem>>) src(%arg6 : memref<128x128xf32, #tpu.memory_space<vmem>>) dst(%dma_wait3A_204 : memref<128x128xf32, #tpu.memory_space<hbm>>)
        } else {
        }
        %add3A_193 = arith.constant 4 : i32
        %add3A_194 = arith.addi %add3A_76, %add3A_193 : i32
        %mul3A_195 = arith.constant 128 : i32
        %mul3A_196 = arith.muli %add3A_194, %mul3A_195 : i32
        %dma_start3A_197 = tpu.memref_slice %arg5[%mul3A_196] : memref<6400xi32, #tpu.memory_space<vmem>> -> memref<128xi32, #tpu.memory_space<vmem>>
        %dma_start3A_198 = arith.constant 0 : i32
        %dma_start3A_199 = arith.constant 0 : i32
        %dma_start3A_200 = tpu.memref_slice %arg2[%dma_start3A_198, %dma_start3A_199] : memref<100000x128xf32, #tpu.memory_space<hbm>> -> memref<100000x128xf32, #tpu.memory_space<hbm>>
        tpu.enqueue_indirect_dma source(%dma_start3A_200 : memref<100000x128xf32, #tpu.memory_space<hbm>>) target(%arg6 : memref<128x128xf32, #tpu.memory_space<vmem>>) offsets(%dma_start3A_197 : memref<128xi32, #tpu.memory_space<vmem>>) semaphore(%arg11 : memref<!tpu.dma_semaphore, #tpu.memory_space<semaphore_mem>>)
      } else {
      }
      %dma_wait3A_84 = arith.constant 0 : i32
      %dma_wait3A_85 = tpu.memref_slice %arg5[%dma_wait3A_84] : memref<6400xi32, #tpu.memory_space<vmem>> -> memref<128xi32, #tpu.memory_space<vmem>>
      %dma_wait3A_86 = arith.constant 0 : i32
      %dma_wait3A_87 = arith.constant 0 : i32
      %dma_wait3A_88 = tpu.memref_slice %arg2[%dma_wait3A_86, %dma_wait3A_87] : memref<100000x128xf32, #tpu.memory_space<hbm>> -> memref<100000x128xf32, #tpu.memory_space<hbm>>
      tpu.wait_indirect_dma semaphore(%arg12 : memref<!tpu.dma_semaphore, #tpu.memory_space<semaphore_mem>>) src(%dma_wait3A_88 : memref<100000x128xf32, #tpu.memory_space<hbm>>) dst(%arg7 : memref<128x128xf32, #tpu.memory_space<vmem>>)
      %scan3A_89 = arith.constant 0 : i32
      %scan3A_90 = arith.constant 0 : i32
      %scan3A_91 = arith.constant 128 : i32
      %scan3A_92 = arith.addi %scan3A_90, %scan3A_91 : i32
      %scan3A_93 = arith.constant 1 : i32
      scf.for %scan3A_189 = %scan3A_90 to %scan3A_92 step %scan3A_93  : i32 {
        %get3A = arith.index_cast %scan3A_189 : i32 to index
        %get3A_190 = arith.constant 0 : index
        %get3A_191 = tpu.vector_load %arg7[%get3A, %get3A_190] {strides = array<i32>} : memref<128x128xf32, #tpu.memory_space<vmem>>, vector<1x16xf32>,
        %get3A_192 = vector.shape_cast %get3A_191 : vector<1x16xf32> to vector<16xf32>
        %mul3A_193 = arith.constant 11.3137083 : f32
        %mul3A_194 = vector.broadcast %mul3A_193 : f32 to vector<16xf32>
        %mul3A_195 = arith.mulf %get3A_192, %mul3A_194 : vector<16xf32>
        %swap3A = arith.index_cast %scan3A_189 : i32 to index
        %swap3A_196 = arith.constant 0 : index
        %swap3A_197 = tpu.vector_load %arg7[%swap3A, %swap3A_196] {strides = array<i32>} : memref<128x128xf32, #tpu.memory_space<vmem>>, vector<1x16xf32>,
        %swap3A_198 = vector.shape_cast %swap3A_197 : vector<1x16xf32> to vector<16xf32>
        %swap3A_199 = vector.shape_cast %mul3A_195 : vector<16xf32> to vector<1x16xf32>
        tpu.vector_store %arg7[%swap3A, %swap3A_196], %swap3A_199 {strides = array<i32>} : memref<128x128xf32, #tpu.memory_space<vmem>>, vector<1x16xf32>,
        %get3A_200 = arith.index_cast %scan3A_189 : i32 to index
        %get3A_201 = arith.constant 16 : index
        %get3A_202 = tpu.vector_load %arg7[%get3A_200, %get3A_201] {strides = array<i32>} : memref<128x128xf32, #tpu.memory_space<vmem>>, vector<1x16xf32>,
        %get3A_203 = vector.shape_cast %get3A_202 : vector<1x16xf32> to vector<16xf32>
        %mul3A_204 = arith.constant 11.3137083 : f32
        %mul3A_205 = vector.broadcast %mul3A_204 : f32 to vector<16xf32>
        %mul3A_206 = arith.mulf %get3A_203, %mul3A_205 : vector<16xf32>
        %swap3A_207 = arith.index_cast %scan3A_189 : i32 to index
        %swap3A_208 = arith.constant 16 : index
        %swap3A_209 = tpu.vector_load %arg7[%swap3A_207, %swap3A_208] {strides = array<i32>} : memref<128x128xf32, #tpu.memory_space<vmem>>, vector<1x16xf32>,
        %swap3A_210 = vector.shape_cast %swap3A_209 : vector<1x16xf32> to vector<16xf32>
        %swap3A_211 = vector.shape_cast %mul3A_206 : vector<16xf32> to vector<1x16xf32>
        tpu.vector_store %arg7[%swap3A_207, %swap3A_208], %swap3A_211 {strides = array<i32>} : memref<128x128xf32, #tpu.memory_space<vmem>>, vector<1x16xf32>,
        %get3A_212 = arith.index_cast %scan3A_189 : i32 to index
        %get3A_213 = arith.constant 32 : index
        %get3A_214 = tpu.vector_load %arg7[%get3A_212, %get3A_213] {strides = array<i32>} : memref<128x128xf32, #tpu.memory_space<vmem>>, vector<1x16xf32>,
        %get3A_215 = vector.shape_cast %get3A_214 : vector<1x16xf32> to vector<16xf32>
        %mul3A_216 = arith.constant 11.3137083 : f32
        %mul3A_217 = vector.broadcast %mul3A_216 : f32 to vector<16xf32>
        %mul3A_218 = arith.mulf %get3A_215, %mul3A_217 : vector<16xf32>
        %swap3A_219 = arith.index_cast %scan3A_189 : i32 to index
        %swap3A_220 = arith.constant 32 : index
        %swap3A_221 = tpu.vector_load %arg7[%swap3A_219, %swap3A_220] {strides = array<i32>} : memref<128x128xf32, #tpu.memory_space<vmem>>, vector<1x16xf32>,
        %swap3A_222 = vector.shape_cast %swap3A_221 : vector<1x16xf32> to vector<16xf32>
        %swap3A_223 = vector.shape_cast %mul3A_218 : vector<16xf32> to vector<1x16xf32>
        tpu.vector_store %arg7[%swap3A_219, %swap3A_220], %swap3A_223 {strides = array<i32>} : memref<128x128xf32, #tpu.memory_space<vmem>>, vector<1x16xf32>,
        %get3A_224 = arith.index_cast %scan3A_189 : i32 to index
        %get3A_225 = arith.constant 48 : index
        %get3A_226 = tpu.vector_load %arg7[%get3A_224, %get3A_225] {strides = array<i32>} : memref<128x128xf32, #tpu.memory_space<vmem>>, vector<1x16xf32>,
        %get3A_227 = vector.shape_cast %get3A_226 : vector<1x16xf32> to vector<16xf32>
        %mul3A_228 = arith.constant 11.3137083 : f32
        %mul3A_229 = vector.broadcast %mul3A_228 : f32 to vector<16xf32>
        %mul3A_230 = arith.mulf %get3A_227, %mul3A_229 : vector<16xf32>
        %swap3A_231 = arith.index_cast %scan3A_189 : i32 to index
        %swap3A_232 = arith.constant 48 : index
        %swap3A_233 = tpu.vector_load %arg7[%swap3A_231, %swap3A_232] {strides = array<i32>} : memref<128x128xf32, #tpu.memory_space<vmem>>, vector<1x16xf32>,
        %swap3A_234 = vector.shape_cast %swap3A_233 : vector<1x16xf32> to vector<16xf32>
        %swap3A_235 = vector.shape_cast %mul3A_230 : vector<16xf32> to vector<1x16xf32>
        tpu.vector_store %arg7[%swap3A_231, %swap3A_232], %swap3A_235 {strides = array<i32>} : memref<128x128xf32, #tpu.memory_space<vmem>>, vector<1x16xf32>,
        %get3A_236 = arith.index_cast %scan3A_189 : i32 to index
        %get3A_237 = arith.constant 64 : index
        %get3A_238 = tpu.vector_load %arg7[%get3A_236, %get3A_237] {strides = array<i32>} : memref<128x128xf32, #tpu.memory_space<vmem>>, vector<1x16xf32>,
        %get3A_239 = vector.shape_cast %get3A_238 : vector<1x16xf32> to vector<16xf32>
        %mul3A_240 = arith.constant 11.3137083 : f32
        %mul3A_241 = vector.broadcast %mul3A_240 : f32 to vector<16xf32>
        %mul3A_242 = arith.mulf %get3A_239, %mul3A_241 : vector<16xf32>
        %swap3A_243 = arith.index_cast %scan3A_189 : i32 to index
        %swap3A_244 = arith.constant 64 : index
        %swap3A_245 = tpu.vector_load %arg7[%swap3A_243, %swap3A_244] {strides = array<i32>} : memref<128x128xf32, #tpu.memory_space<vmem>>, vector<1x16xf32>,
        %swap3A_246 = vector.shape_cast %swap3A_245 : vector<1x16xf32> to vector<16xf32>
        %swap3A_247 = vector.shape_cast %mul3A_242 : vector<16xf32> to vector<1x16xf32>
        tpu.vector_store %arg7[%swap3A_243, %swap3A_244], %swap3A_247 {strides = array<i32>} : memref<128x128xf32, #tpu.memory_space<vmem>>, vector<1x16xf32>,
        %get3A_248 = arith.index_cast %scan3A_189 : i32 to index
        %get3A_249 = arith.constant 80 : index
        %get3A_250 = tpu.vector_load %arg7[%get3A_248, %get3A_249] {strides = array<i32>} : memref<128x128xf32, #tpu.memory_space<vmem>>, vector<1x16xf32>,
        %get3A_251 = vector.shape_cast %get3A_250 : vector<1x16xf32> to vector<16xf32>
        %mul3A_252 = arith.constant 11.3137083 : f32
        %mul3A_253 = vector.broadcast %mul3A_252 : f32 to vector<16xf32>
        %mul3A_254 = arith.mulf %get3A_251, %mul3A_253 : vector<16xf32>
        %swap3A_255 = arith.index_cast %scan3A_189 : i32 to index
        %swap3A_256 = arith.constant 80 : index
        %swap3A_257 = tpu.vector_load %arg7[%swap3A_255, %swap3A_256] {strides = array<i32>} : memref<128x128xf32, #tpu.memory_space<vmem>>, vector<1x16xf32>,
        %swap3A_258 = vector.shape_cast %swap3A_257 : vector<1x16xf32> to vector<16xf32>
        %swap3A_259 = vector.shape_cast %mul3A_254 : vector<16xf32> to vector<1x16xf32>
        tpu.vector_store %arg7[%swap3A_255, %swap3A_256], %swap3A_259 {strides = array<i32>} : memref<128x128xf32, #tpu.memory_space<vmem>>, vector<1x16xf32>,
        %get3A_260 = arith.index_cast %scan3A_189 : i32 to index
        %get3A_261 = arith.constant 96 : index
        %get3A_262 = tpu.vector_load %arg7[%get3A_260, %get3A_261] {strides = array<i32>} : memref<128x128xf32, #tpu.memory_space<vmem>>, vector<1x16xf32>,
        %get3A_263 = vector.shape_cast %get3A_262 : vector<1x16xf32> to vector<16xf32>
        %mul3A_264 = arith.constant 11.3137083 : f32
        %mul3A_265 = vector.broadcast %mul3A_264 : f32 to vector<16xf32>
        %mul3A_266 = arith.mulf %get3A_263, %mul3A_265 : vector<16xf32>
        %swap3A_267 = arith.index_cast %scan3A_189 : i32 to index
        %swap3A_268 = arith.constant 96 : index
        %swap3A_269 = tpu.vector_load %arg7[%swap3A_267, %swap3A_268] {strides = array<i32>} : memref<128x128xf32, #tpu.memory_space<vmem>>, vector<1x16xf32>,
        %swap3A_270 = vector.shape_cast %swap3A_269 : vector<1x16xf32> to vector<16xf32>
        %swap3A_271 = vector.shape_cast %mul3A_266 : vector<16xf32> to vector<1x16xf32>
        tpu.vector_store %arg7[%swap3A_267, %swap3A_268], %swap3A_271 {strides = array<i32>} : memref<128x128xf32, #tpu.memory_space<vmem>>, vector<1x16xf32>,
        %get3A_272 = arith.index_cast %scan3A_189 : i32 to index
        %get3A_273 = arith.constant 112 : index
        %get3A_274 = tpu.vector_load %arg7[%get3A_272, %get3A_273] {strides = array<i32>} : memref<128x128xf32, #tpu.memory_space<vmem>>, vector<1x16xf32>,
        %get3A_275 = vector.shape_cast %get3A_274 : vector<1x16xf32> to vector<16xf32>
        %mul3A_276 = arith.constant 11.3137083 : f32
        %mul3A_277 = vector.broadcast %mul3A_276 : f32 to vector<16xf32>
        %mul3A_278 = arith.mulf %get3A_275, %mul3A_277 : vector<16xf32>
        %swap3A_279 = arith.index_cast %scan3A_189 : i32 to index
        %swap3A_280 = arith.constant 112 : index
        %swap3A_281 = tpu.vector_load %arg7[%swap3A_279, %swap3A_280] {strides = array<i32>} : memref<128x128xf32, #tpu.memory_space<vmem>>, vector<1x16xf32>,
        %swap3A_282 = vector.shape_cast %swap3A_281 : vector<1x16xf32> to vector<16xf32>
        %swap3A_283 = vector.shape_cast %mul3A_278 : vector<16xf32> to vector<1x16xf32>
        tpu.vector_store %arg7[%swap3A_279, %swap3A_280], %swap3A_283 {strides = array<i32>} : memref<128x128xf32, #tpu.memory_space<vmem>>, vector<1x16xf32>,
      }
      %scan3A_94 = arith.constant 128 : i32
      %mul3A_95 = arith.constant 128 : i32
      %mul3A_96 = arith.muli %add3A_76, %mul3A_95 : i32
      %add3A_97 = arith.addi %mul3A_2, %mul3A_96 : i32
      %dma_start3A_98 = arith.constant 0 : i32
      %dma_start3A_99 = tpu.memref_slice %arg4[%add3A_97, %dma_start3A_98] : memref<204800x128xf32, #tpu.memory_space<hbm>> -> memref<128x128xf32, #tpu.memory_space<hbm>>
      %dma_start3A_100 = arith.constant 0 : i32
      %dma_start3A_101 = tpu.memref_slice %arg4[%add3A_97, %dma_start3A_100] : memref<204800x128xf32, #tpu.memory_space<hbm>> -> memref<128x128xf32, #tpu.memory_space<hbm>>
      tpu.enqueue_dma source(%arg7 : memref<128x128xf32, #tpu.memory_space<vmem>>) target(%dma_start3A_101 : memref<128x128xf32, #tpu.memory_space<hbm>>) target_semaphore(%arg17 : memref<!tpu.dma_semaphore, #tpu.memory_space<semaphore_mem>>)
      %mul3A_102 = arith.constant 5 : i32
      %mul3A_103 = arith.muli %scan3A_46, %mul3A_102 : i32
      %add3A_104 = arith.constant 2 : i32
      %add3A_105 = arith.addi %mul3A_103, %add3A_104 : i32
      %add3A_106 = arith.constant 4 : i32
      %add3A_107 = arith.addi %add3A_105, %add3A_106 : i32
      %lt3A_108 = arith.constant 50 : i32
      %lt3A_109 = arith.cmpi slt, %add3A_107, %lt3A_108 : i32
      %convert_element_type3A_110 = arith.extui %lt3A_109 : i1 to i32
      %cond3A_111 = arith.constant 0 : i32
      %cond3A_112 = arith.cmpi ne, %convert_element_type3A_110, %cond3A_111 : i32
      scf.if %cond3A_112 {
        %ge3A = arith.constant 1 : i32
        %ge3A_189 = arith.cmpi sge, %add3A_105, %ge3A : i32
        %convert_element_type3A_190 = arith.extui %ge3A_189 : i1 to i32
        %cond3A_191 = arith.constant 0 : i32
        %cond3A_192 = arith.cmpi ne, %convert_element_type3A_190, %cond3A_191 : i32
        scf.if %cond3A_192 {
          %dma_wait3A_201 = arith.constant 0 : i32
          %dma_wait3A_202 = tpu.memref_slice %arg4[%mul3A_2, %dma_wait3A_201] : memref<204800x128xf32, #tpu.memory_space<hbm>> -> memref<128x128xf32, #tpu.memory_space<hbm>>
          %dma_wait3A_203 = arith.constant 0 : i32
          %dma_wait3A_204 = tpu.memref_slice %arg4[%mul3A_2, %dma_wait3A_203] : memref<204800x128xf32, #tpu.memory_space<hbm>> -> memref<128x128xf32, #tpu.memory_space<hbm>>
          tpu.wait_dma2 semaphore(%arg17 : memref<!tpu.dma_semaphore, #tpu.memory_space<semaphore_mem>>) src(%arg7 : memref<128x128xf32, #tpu.memory_space<vmem>>) dst(%dma_wait3A_204 : memref<128x128xf32, #tpu.memory_space<hbm>>)
        } else {
        }
        %add3A_193 = arith.constant 4 : i32
        %add3A_194 = arith.addi %add3A_105, %add3A_193 : i32
        %mul3A_195 = arith.constant 128 : i32
        %mul3A_196 = arith.muli %add3A_194, %mul3A_195 : i32
        %dma_start3A_197 = tpu.memref_slice %arg5[%mul3A_196] : memref<6400xi32, #tpu.memory_space<vmem>> -> memref<128xi32, #tpu.memory_space<vmem>>
        %dma_start3A_198 = arith.constant 0 : i32
        %dma_start3A_199 = arith.constant 0 : i32
        %dma_start3A_200 = tpu.memref_slice %arg2[%dma_start3A_198, %dma_start3A_199] : memref<100000x128xf32, #tpu.memory_space<hbm>> -> memref<100000x128xf32, #tpu.memory_space<hbm>>
        tpu.enqueue_indirect_dma source(%dma_start3A_200 : memref<100000x128xf32, #tpu.memory_space<hbm>>) target(%arg7 : memref<128x128xf32, #tpu.memory_space<vmem>>) offsets(%dma_start3A_197 : memref<128xi32, #tpu.memory_space<vmem>>) semaphore(%arg12 : memref<!tpu.dma_semaphore, #tpu.memory_space<semaphore_mem>>)
      } else {
      }
      %dma_wait3A_113 = arith.constant 0 : i32
      %dma_wait3A_114 = tpu.memref_slice %arg5[%dma_wait3A_113] : memref<6400xi32, #tpu.memory_space<vmem>> -> memref<128xi32, #tpu.memory_space<vmem>>
      %dma_wait3A_115 = arith.constant 0 : i32
      %dma_wait3A_116 = arith.constant 0 : i32
      %dma_wait3A_117 = tpu.memref_slice %arg2[%dma_wait3A_115, %dma_wait3A_116] : memref<100000x128xf32, #tpu.memory_space<hbm>> -> memref<100000x128xf32, #tpu.memory_space<hbm>>
      tpu.wait_indirect_dma semaphore(%arg13 : memref<!tpu.dma_semaphore, #tpu.memory_space<semaphore_mem>>) src(%dma_wait3A_117 : memref<100000x128xf32, #tpu.memory_space<hbm>>) dst(%arg8 : memref<128x128xf32, #tpu.memory_space<vmem>>)
      %scan3A_118 = arith.constant 0 : i32
      %scan3A_119 = arith.constant 0 : i32
      %scan3A_120 = arith.constant 128 : i32
      %scan3A_121 = arith.addi %scan3A_119, %scan3A_120 : i32
      %scan3A_122 = arith.constant 1 : i32
      scf.for %scan3A_189 = %scan3A_119 to %scan3A_121 step %scan3A_122  : i32 {
        %get3A = arith.index_cast %scan3A_189 : i32 to index
        %get3A_190 = arith.constant 0 : index
        %get3A_191 = tpu.vector_load %arg8[%get3A, %get3A_190] {strides = array<i32>} : memref<128x128xf32, #tpu.memory_space<vmem>>, vector<1x16xf32>,
        %get3A_192 = vector.shape_cast %get3A_191 : vector<1x16xf32> to vector<16xf32>
        %mul3A_193 = arith.constant 11.3137083 : f32
        %mul3A_194 = vector.broadcast %mul3A_193 : f32 to vector<16xf32>
        %mul3A_195 = arith.mulf %get3A_192, %mul3A_194 : vector<16xf32>
        %swap3A = arith.index_cast %scan3A_189 : i32 to index
        %swap3A_196 = arith.constant 0 : index
        %swap3A_197 = tpu.vector_load %arg8[%swap3A, %swap3A_196] {strides = array<i32>} : memref<128x128xf32, #tpu.memory_space<vmem>>, vector<1x16xf32>,
        %swap3A_198 = vector.shape_cast %swap3A_197 : vector<1x16xf32> to vector<16xf32>
        %swap3A_199 = vector.shape_cast %mul3A_195 : vector<16xf32> to vector<1x16xf32>
        tpu.vector_store %arg8[%swap3A, %swap3A_196], %swap3A_199 {strides = array<i32>} : memref<128x128xf32, #tpu.memory_space<vmem>>, vector<1x16xf32>,
        %get3A_200 = arith.index_cast %scan3A_189 : i32 to index
        %get3A_201 = arith.constant 16 : index
        %get3A_202 = tpu.vector_load %arg8[%get3A_200, %get3A_201] {strides = array<i32>} : memref<128x128xf32, #tpu.memory_space<vmem>>, vector<1x16xf32>,
        %get3A_203 = vector.shape_cast %get3A_202 : vector<1x16xf32> to vector<16xf32>
        %mul3A_204 = arith.constant 11.3137083 : f32
        %mul3A_205 = vector.broadcast %mul3A_204 : f32 to vector<16xf32>
        %mul3A_206 = arith.mulf %get3A_203, %mul3A_205 : vector<16xf32>
        %swap3A_207 = arith.index_cast %scan3A_189 : i32 to index
        %swap3A_208 = arith.constant 16 : index
        %swap3A_209 = tpu.vector_load %arg8[%swap3A_207, %swap3A_208] {strides = array<i32>} : memref<128x128xf32, #tpu.memory_space<vmem>>, vector<1x16xf32>,
        %swap3A_210 = vector.shape_cast %swap3A_209 : vector<1x16xf32> to vector<16xf32>
        %swap3A_211 = vector.shape_cast %mul3A_206 : vector<16xf32> to vector<1x16xf32>
        tpu.vector_store %arg8[%swap3A_207, %swap3A_208], %swap3A_211 {strides = array<i32>} : memref<128x128xf32, #tpu.memory_space<vmem>>, vector<1x16xf32>,
        %get3A_212 = arith.index_cast %scan3A_189 : i32 to index
        %get3A_213 = arith.constant 32 : index
        %get3A_214 = tpu.vector_load %arg8[%get3A_212, %get3A_213] {strides = array<i32>} : memref<128x128xf32, #tpu.memory_space<vmem>>, vector<1x16xf32>,
        %get3A_215 = vector.shape_cast %get3A_214 : vector<1x16xf32> to vector<16xf32>
        %mul3A_216 = arith.constant 11.3137083 : f32
        %mul3A_217 = vector.broadcast %mul3A_216 : f32 to vector<16xf32>
        %mul3A_218 = arith.mulf %get3A_215, %mul3A_217 : vector<16xf32>
        %swap3A_219 = arith.index_cast %scan3A_189 : i32 to index
        %swap3A_220 = arith.constant 32 : index
        %swap3A_221 = tpu.vector_load %arg8[%swap3A_219, %swap3A_220] {strides = array<i32>} : memref<128x128xf32, #tpu.memory_space<vmem>>, vector<1x16xf32>,
        %swap3A_222 = vector.shape_cast %swap3A_221 : vector<1x16xf32> to vector<16xf32>
        %swap3A_223 = vector.shape_cast %mul3A_218 : vector<16xf32> to vector<1x16xf32>
        tpu.vector_store %arg8[%swap3A_219, %swap3A_220], %swap3A_223 {strides = array<i32>} : memref<128x128xf32, #tpu.memory_space<vmem>>, vector<1x16xf32>,
        %get3A_224 = arith.index_cast %scan3A_189 : i32 to index
        %get3A_225 = arith.constant 48 : index
        %get3A_226 = tpu.vector_load %arg8[%get3A_224, %get3A_225] {strides = array<i32>} : memref<128x128xf32, #tpu.memory_space<vmem>>, vector<1x16xf32>,
        %get3A_227 = vector.shape_cast %get3A_226 : vector<1x16xf32> to vector<16xf32>
        %mul3A_228 = arith.constant 11.3137083 : f32
        %mul3A_229 = vector.broadcast %mul3A_228 : f32 to vector<16xf32>
        %mul3A_230 = arith.mulf %get3A_227, %mul3A_229 : vector<16xf32>
        %swap3A_231 = arith.index_cast %scan3A_189 : i32 to index
        %swap3A_232 = arith.constant 48 : index
        %swap3A_233 = tpu.vector_load %arg8[%swap3A_231, %swap3A_232] {strides = array<i32>} : memref<128x128xf32, #tpu.memory_space<vmem>>, vector<1x16xf32>,
        %swap3A_234 = vector.shape_cast %swap3A_233 : vector<1x16xf32> to vector<16xf32>
        %swap3A_235 = vector.shape_cast %mul3A_230 : vector<16xf32> to vector<1x16xf32>
        tpu.vector_store %arg8[%swap3A_231, %swap3A_232], %swap3A_235 {strides = array<i32>} : memref<128x128xf32, #tpu.memory_space<vmem>>, vector<1x16xf32>,
        %get3A_236 = arith.index_cast %scan3A_189 : i32 to index
        %get3A_237 = arith.constant 64 : index
        %get3A_238 = tpu.vector_load %arg8[%get3A_236, %get3A_237] {strides = array<i32>} : memref<128x128xf32, #tpu.memory_space<vmem>>, vector<1x16xf32>,
        %get3A_239 = vector.shape_cast %get3A_238 : vector<1x16xf32> to vector<16xf32>
        %mul3A_240 = arith.constant 11.3137083 : f32
        %mul3A_241 = vector.broadcast %mul3A_240 : f32 to vector<16xf32>
        %mul3A_242 = arith.mulf %get3A_239, %mul3A_241 : vector<16xf32>
        %swap3A_243 = arith.index_cast %scan3A_189 : i32 to index
        %swap3A_244 = arith.constant 64 : index
        %swap3A_245 = tpu.vector_load %arg8[%swap3A_243, %swap3A_244] {strides = array<i32>} : memref<128x128xf32, #tpu.memory_space<vmem>>, vector<1x16xf32>,
        %swap3A_246 = vector.shape_cast %swap3A_245 : vector<1x16xf32> to vector<16xf32>
        %swap3A_247 = vector.shape_cast %mul3A_242 : vector<16xf32> to vector<1x16xf32>
        tpu.vector_store %arg8[%swap3A_243, %swap3A_244], %swap3A_247 {strides = array<i32>} : memref<128x128xf32, #tpu.memory_space<vmem>>, vector<1x16xf32>,
        %get3A_248 = arith.index_cast %scan3A_189 : i32 to index
        %get3A_249 = arith.constant 80 : index
        %get3A_250 = tpu.vector_load %arg8[%get3A_248, %get3A_249] {strides = array<i32>} : memref<128x128xf32, #tpu.memory_space<vmem>>, vector<1x16xf32>,
        %get3A_251 = vector.shape_cast %get3A_250 : vector<1x16xf32> to vector<16xf32>
        %mul3A_252 = arith.constant 11.3137083 : f32
        %mul3A_253 = vector.broadcast %mul3A_252 : f32 to vector<16xf32>
        %mul3A_254 = arith.mulf %get3A_251, %mul3A_253 : vector<16xf32>
        %swap3A_255 = arith.index_cast %scan3A_189 : i32 to index
        %swap3A_256 = arith.constant 80 : index
        %swap3A_257 = tpu.vector_load %arg8[%swap3A_255, %swap3A_256] {strides = array<i32>} : memref<128x128xf32, #tpu.memory_space<vmem>>, vector<1x16xf32>,
        %swap3A_258 = vector.shape_cast %swap3A_257 : vector<1x16xf32> to vector<16xf32>
        %swap3A_259 = vector.shape_cast %mul3A_254 : vector<16xf32> to vector<1x16xf32>
        tpu.vector_store %arg8[%swap3A_255, %swap3A_256], %swap3A_259 {strides = array<i32>} : memref<128x128xf32, #tpu.memory_space<vmem>>, vector<1x16xf32>,
        %get3A_260 = arith.index_cast %scan3A_189 : i32 to index
        %get3A_261 = arith.constant 96 : index
        %get3A_262 = tpu.vector_load %arg8[%get3A_260, %get3A_261] {strides = array<i32>} : memref<128x128xf32, #tpu.memory_space<vmem>>, vector<1x16xf32>,
        %get3A_263 = vector.shape_cast %get3A_262 : vector<1x16xf32> to vector<16xf32>
        %mul3A_264 = arith.constant 11.3137083 : f32
        %mul3A_265 = vector.broadcast %mul3A_264 : f32 to vector<16xf32>
        %mul3A_266 = arith.mulf %get3A_263, %mul3A_265 : vector<16xf32>
        %swap3A_267 = arith.index_cast %scan3A_189 : i32 to index
        %swap3A_268 = arith.constant 96 : index
        %swap3A_269 = tpu.vector_load %arg8[%swap3A_267, %swap3A_268] {strides = array<i32>} : memref<128x128xf32, #tpu.memory_space<vmem>>, vector<1x16xf32>,
        %swap3A_270 = vector.shape_cast %swap3A_269 : vector<1x16xf32> to vector<16xf32>
        %swap3A_271 = vector.shape_cast %mul3A_266 : vector<16xf32> to vector<1x16xf32>
        tpu.vector_store %arg8[%swap3A_267, %swap3A_268], %swap3A_271 {strides = array<i32>} : memref<128x128xf32, #tpu.memory_space<vmem>>, vector<1x16xf32>,
        %get3A_272 = arith.index_cast %scan3A_189 : i32 to index
        %get3A_273 = arith.constant 112 : index
        %get3A_274 = tpu.vector_load %arg8[%get3A_272, %get3A_273] {strides = array<i32>} : memref<128x128xf32, #tpu.memory_space<vmem>>, vector<1x16xf32>,
        %get3A_275 = vector.shape_cast %get3A_274 : vector<1x16xf32> to vector<16xf32>
        %mul3A_276 = arith.constant 11.3137083 : f32
        %mul3A_277 = vector.broadcast %mul3A_276 : f32 to vector<16xf32>
        %mul3A_278 = arith.mulf %get3A_275, %mul3A_277 : vector<16xf32>
        %swap3A_279 = arith.index_cast %scan3A_189 : i32 to index
        %swap3A_280 = arith.constant 112 : index
        %swap3A_281 = tpu.vector_load %arg8[%swap3A_279, %swap3A_280] {strides = array<i32>} : memref<128x128xf32, #tpu.memory_space<vmem>>, vector<1x16xf32>,
        %swap3A_282 = vector.shape_cast %swap3A_281 : vector<1x16xf32> to vector<16xf32>
        %swap3A_283 = vector.shape_cast %mul3A_278 : vector<16xf32> to vector<1x16xf32>
        tpu.vector_store %arg8[%swap3A_279, %swap3A_280], %swap3A_283 {strides = array<i32>} : memref<128x128xf32, #tpu.memory_space<vmem>>, vector<1x16xf32>,
      }
      %scan3A_123 = arith.constant 128 : i32
      %mul3A_124 = arith.constant 128 : i32
      %mul3A_125 = arith.muli %add3A_105, %mul3A_124 : i32
      %add3A_126 = arith.addi %mul3A_2, %mul3A_125 : i32
      %dma_start3A_127 = arith.constant 0 : i32
      %dma_start3A_128 = tpu.memref_slice %arg4[%add3A_126, %dma_start3A_127] : memref<204800x128xf32, #tpu.memory_space<hbm>> -> memref<128x128xf32, #tpu.memory_space<hbm>>
      %dma_start3A_129 = arith.constant 0 : i32
      %dma_start3A_130 = tpu.memref_slice %arg4[%add3A_126, %dma_start3A_129] : memref<204800x128xf32, #tpu.memory_space<hbm>> -> memref<128x128xf32, #tpu.memory_space<hbm>>
      tpu.enqueue_dma source(%arg8 : memref<128x128xf32, #tpu.memory_space<vmem>>) target(%dma_start3A_130 : memref<128x128xf32, #tpu.memory_space<hbm>>) target_semaphore(%arg18 : memref<!tpu.dma_semaphore, #tpu.memory_space<semaphore_mem>>)
      %mul3A_131 = arith.constant 5 : i32
      %mul3A_132 = arith.muli %scan3A_46, %mul3A_131 : i32
      %add3A_133 = arith.constant 3 : i32
      %add3A_134 = arith.addi %mul3A_132, %add3A_133 : i32
      %add3A_135 = arith.constant 4 : i32
      %add3A_136 = arith.addi %add3A_134, %add3A_135 : i32
      %lt3A_137 = arith.constant 50 : i32
      %lt3A_138 = arith.cmpi slt, %add3A_136, %lt3A_137 : i32
      %convert_element_type3A_139 = arith.extui %lt3A_138 : i1 to i32
      %cond3A_140 = arith.constant 0 : i32
      %cond3A_141 = arith.cmpi ne, %convert_element_type3A_139, %cond3A_140 : i32
      scf.if %cond3A_141 {
        %ge3A = arith.constant 1 : i32
        %ge3A_189 = arith.cmpi sge, %add3A_134, %ge3A : i32
        %convert_element_type3A_190 = arith.extui %ge3A_189 : i1 to i32
        %cond3A_191 = arith.constant 0 : i32
        %cond3A_192 = arith.cmpi ne, %convert_element_type3A_190, %cond3A_191 : i32
        scf.if %cond3A_192 {
          %dma_wait3A_201 = arith.constant 0 : i32
          %dma_wait3A_202 = tpu.memref_slice %arg4[%mul3A_2, %dma_wait3A_201] : memref<204800x128xf32, #tpu.memory_space<hbm>> -> memref<128x128xf32, #tpu.memory_space<hbm>>
          %dma_wait3A_203 = arith.constant 0 : i32
          %dma_wait3A_204 = tpu.memref_slice %arg4[%mul3A_2, %dma_wait3A_203] : memref<204800x128xf32, #tpu.memory_space<hbm>> -> memref<128x128xf32, #tpu.memory_space<hbm>>
          tpu.wait_dma2 semaphore(%arg18 : memref<!tpu.dma_semaphore, #tpu.memory_space<semaphore_mem>>) src(%arg8 : memref<128x128xf32, #tpu.memory_space<vmem>>) dst(%dma_wait3A_204 : memref<128x128xf32, #tpu.memory_space<hbm>>)
        } else {
        }
        %add3A_193 = arith.constant 4 : i32
        %add3A_194 = arith.addi %add3A_134, %add3A_193 : i32
        %mul3A_195 = arith.constant 128 : i32
        %mul3A_196 = arith.muli %add3A_194, %mul3A_195 : i32
        %dma_start3A_197 = tpu.memref_slice %arg5[%mul3A_196] : memref<6400xi32, #tpu.memory_space<vmem>> -> memref<128xi32, #tpu.memory_space<vmem>>
        %dma_start3A_198 = arith.constant 0 : i32
        %dma_start3A_199 = arith.constant 0 : i32
        %dma_start3A_200 = tpu.memref_slice %arg2[%dma_start3A_198, %dma_start3A_199] : memref<100000x128xf32, #tpu.memory_space<hbm>> -> memref<100000x128xf32, #tpu.memory_space<hbm>>
        tpu.enqueue_indirect_dma source(%dma_start3A_200 : memref<100000x128xf32, #tpu.memory_space<hbm>>) target(%arg8 : memref<128x128xf32, #tpu.memory_space<vmem>>) offsets(%dma_start3A_197 : memref<128xi32, #tpu.memory_space<vmem>>) semaphore(%arg13 : memref<!tpu.dma_semaphore, #tpu.memory_space<semaphore_mem>>)
      } else {
      }
      %dma_wait3A_142 = arith.constant 0 : i32
      %dma_wait3A_143 = tpu.memref_slice %arg5[%dma_wait3A_142] : memref<6400xi32, #tpu.memory_space<vmem>> -> memref<128xi32, #tpu.memory_space<vmem>>
      %dma_wait3A_144 = arith.constant 0 : i32
      %dma_wait3A_145 = arith.constant 0 : i32
      %dma_wait3A_146 = tpu.memref_slice %arg2[%dma_wait3A_144, %dma_wait3A_145] : memref<100000x128xf32, #tpu.memory_space<hbm>> -> memref<100000x128xf32, #tpu.memory_space<hbm>>
      tpu.wait_indirect_dma semaphore(%arg14 : memref<!tpu.dma_semaphore, #tpu.memory_space<semaphore_mem>>) src(%dma_wait3A_146 : memref<100000x128xf32, #tpu.memory_space<hbm>>) dst(%arg9 : memref<128x128xf32, #tpu.memory_space<vmem>>)
      %scan3A_147 = arith.constant 0 : i32
      %scan3A_148 = arith.constant 0 : i32
      %scan3A_149 = arith.constant 128 : i32
      %scan3A_150 = arith.addi %scan3A_148, %scan3A_149 : i32
      %scan3A_151 = arith.constant 1 : i32
      scf.for %scan3A_189 = %scan3A_148 to %scan3A_150 step %scan3A_151  : i32 {
        %get3A = arith.index_cast %scan3A_189 : i32 to index
        %get3A_190 = arith.constant 0 : index
        %get3A_191 = tpu.vector_load %arg9[%get3A, %get3A_190] {strides = array<i32>} : memref<128x128xf32, #tpu.memory_space<vmem>>, vector<1x16xf32>,
        %get3A_192 = vector.shape_cast %get3A_191 : vector<1x16xf32> to vector<16xf32>
        %mul3A_193 = arith.constant 11.3137083 : f32
        %mul3A_194 = vector.broadcast %mul3A_193 : f32 to vector<16xf32>
        %mul3A_195 = arith.mulf %get3A_192, %mul3A_194 : vector<16xf32>
        %swap3A = arith.index_cast %scan3A_189 : i32 to index
        %swap3A_196 = arith.constant 0 : index
        %swap3A_197 = tpu.vector_load %arg9[%swap3A, %swap3A_196] {strides = array<i32>} : memref<128x128xf32, #tpu.memory_space<vmem>>, vector<1x16xf32>,
        %swap3A_198 = vector.shape_cast %swap3A_197 : vector<1x16xf32> to vector<16xf32>
        %swap3A_199 = vector.shape_cast %mul3A_195 : vector<16xf32> to vector<1x16xf32>
        tpu.vector_store %arg9[%swap3A, %swap3A_196], %swap3A_199 {strides = array<i32>} : memref<128x128xf32, #tpu.memory_space<vmem>>, vector<1x16xf32>,
        %get3A_200 = arith.index_cast %scan3A_189 : i32 to index
        %get3A_201 = arith.constant 16 : index
        %get3A_202 = tpu.vector_load %arg9[%get3A_200, %get3A_201] {strides = array<i32>} : memref<128x128xf32, #tpu.memory_space<vmem>>, vector<1x16xf32>,
        %get3A_203 = vector.shape_cast %get3A_202 : vector<1x16xf32> to vector<16xf32>
        %mul3A_204 = arith.constant 11.3137083 : f32
        %mul3A_205 = vector.broadcast %mul3A_204 : f32 to vector<16xf32>
        %mul3A_206 = arith.mulf %get3A_203, %mul3A_205 : vector<16xf32>
        %swap3A_207 = arith.index_cast %scan3A_189 : i32 to index
        %swap3A_208 = arith.constant 16 : index
        %swap3A_209 = tpu.vector_load %arg9[%swap3A_207, %swap3A_208] {strides = array<i32>} : memref<128x128xf32, #tpu.memory_space<vmem>>, vector<1x16xf32>,
        %swap3A_210 = vector.shape_cast %swap3A_209 : vector<1x16xf32> to vector<16xf32>
        %swap3A_211 = vector.shape_cast %mul3A_206 : vector<16xf32> to vector<1x16xf32>
        tpu.vector_store %arg9[%swap3A_207, %swap3A_208], %swap3A_211 {strides = array<i32>} : memref<128x128xf32, #tpu.memory_space<vmem>>, vector<1x16xf32>,
        %get3A_212 = arith.index_cast %scan3A_189 : i32 to index
        %get3A_213 = arith.constant 32 : index
        %get3A_214 = tpu.vector_load %arg9[%get3A_212, %get3A_213] {strides = array<i32>} : memref<128x128xf32, #tpu.memory_space<vmem>>, vector<1x16xf32>,
        %get3A_215 = vector.shape_cast %get3A_214 : vector<1x16xf32> to vector<16xf32>
        %mul3A_216 = arith.constant 11.3137083 : f32
        %mul3A_217 = vector.broadcast %mul3A_216 : f32 to vector<16xf32>
        %mul3A_218 = arith.mulf %get3A_215, %mul3A_217 : vector<16xf32>
        %swap3A_219 = arith.index_cast %scan3A_189 : i32 to index
        %swap3A_220 = arith.constant 32 : index
        %swap3A_221 = tpu.vector_load %arg9[%swap3A_219, %swap3A_220] {strides = array<i32>} : memref<128x128xf32, #tpu.memory_space<vmem>>, vector<1x16xf32>,
        %swap3A_222 = vector.shape_cast %swap3A_221 : vector<1x16xf32> to vector<16xf32>
        %swap3A_223 = vector.shape_cast %mul3A_218 : vector<16xf32> to vector<1x16xf32>
        tpu.vector_store %arg9[%swap3A_219, %swap3A_220], %swap3A_223 {strides = array<i32>} : memref<128x128xf32, #tpu.memory_space<vmem>>, vector<1x16xf32>,
        %get3A_224 = arith.index_cast %scan3A_189 : i32 to index
        %get3A_225 = arith.constant 48 : index
        %get3A_226 = tpu.vector_load %arg9[%get3A_224, %get3A_225] {strides = array<i32>} : memref<128x128xf32, #tpu.memory_space<vmem>>, vector<1x16xf32>,
        %get3A_227 = vector.shape_cast %get3A_226 : vector<1x16xf32> to vector<16xf32>
        %mul3A_228 = arith.constant 11.3137083 : f32
        %mul3A_229 = vector.broadcast %mul3A_228 : f32 to vector<16xf32>
        %mul3A_230 = arith.mulf %get3A_227, %mul3A_229 : vector<16xf32>
        %swap3A_231 = arith.index_cast %scan3A_189 : i32 to index
        %swap3A_232 = arith.constant 48 : index
        %swap3A_233 = tpu.vector_load %arg9[%swap3A_231, %swap3A_232] {strides = array<i32>} : memref<128x128xf32, #tpu.memory_space<vmem>>, vector<1x16xf32>,
        %swap3A_234 = vector.shape_cast %swap3A_233 : vector<1x16xf32> to vector<16xf32>
        %swap3A_235 = vector.shape_cast %mul3A_230 : vector<16xf32> to vector<1x16xf32>
        tpu.vector_store %arg9[%swap3A_231, %swap3A_232], %swap3A_235 {strides = array<i32>} : memref<128x128xf32, #tpu.memory_space<vmem>>, vector<1x16xf32>,
        %get3A_236 = arith.index_cast %scan3A_189 : i32 to index
        %get3A_237 = arith.constant 64 : index
        %get3A_238 = tpu.vector_load %arg9[%get3A_236, %get3A_237] {strides = array<i32>} : memref<128x128xf32, #tpu.memory_space<vmem>>, vector<1x16xf32>,
        %get3A_239 = vector.shape_cast %get3A_238 : vector<1x16xf32> to vector<16xf32>
        %mul3A_240 = arith.constant 11.3137083 : f32
        %mul3A_241 = vector.broadcast %mul3A_240 : f32 to vector<16xf32>
        %mul3A_242 = arith.mulf %get3A_239, %mul3A_241 : vector<16xf32>
        %swap3A_243 = arith.index_cast %scan3A_189 : i32 to index
        %swap3A_244 = arith.constant 64 : index
        %swap3A_245 = tpu.vector_load %arg9[%swap3A_243, %swap3A_244] {strides = array<i32>} : memref<128x128xf32, #tpu.memory_space<vmem>>, vector<1x16xf32>,
        %swap3A_246 = vector.shape_cast %swap3A_245 : vector<1x16xf32> to vector<16xf32>
        %swap3A_247 = vector.shape_cast %mul3A_242 : vector<16xf32> to vector<1x16xf32>
        tpu.vector_store %arg9[%swap3A_243, %swap3A_244], %swap3A_247 {strides = array<i32>} : memref<128x128xf32, #tpu.memory_space<vmem>>, vector<1x16xf32>,
        %get3A_248 = arith.index_cast %scan3A_189 : i32 to index
        %get3A_249 = arith.constant 80 : index
        %get3A_250 = tpu.vector_load %arg9[%get3A_248, %get3A_249] {strides = array<i32>} : memref<128x128xf32, #tpu.memory_space<vmem>>, vector<1x16xf32>,
        %get3A_251 = vector.shape_cast %get3A_250 : vector<1x16xf32> to vector<16xf32>
        %mul3A_252 = arith.constant 11.3137083 : f32
        %mul3A_253 = vector.broadcast %mul3A_252 : f32 to vector<16xf32>
        %mul3A_254 = arith.mulf %get3A_251, %mul3A_253 : vector<16xf32>
        %swap3A_255 = arith.index_cast %scan3A_189 : i32 to index
        %swap3A_256 = arith.constant 80 : index
        %swap3A_257 = tpu.vector_load %arg9[%swap3A_255, %swap3A_256] {strides = array<i32>} : memref<128x128xf32, #tpu.memory_space<vmem>>, vector<1x16xf32>,
        %swap3A_258 = vector.shape_cast %swap3A_257 : vector<1x16xf32> to vector<16xf32>
        %swap3A_259 = vector.shape_cast %mul3A_254 : vector<16xf32> to vector<1x16xf32>
        tpu.vector_store %arg9[%swap3A_255, %swap3A_256], %swap3A_259 {strides = array<i32>} : memref<128x128xf32, #tpu.memory_space<vmem>>, vector<1x16xf32>,
        %get3A_260 = arith.index_cast %scan3A_189 : i32 to index
        %get3A_261 = arith.constant 96 : index
        %get3A_262 = tpu.vector_load %arg9[%get3A_260, %get3A_261] {strides = array<i32>} : memref<128x128xf32, #tpu.memory_space<vmem>>, vector<1x16xf32>,
        %get3A_263 = vector.shape_cast %get3A_262 : vector<1x16xf32> to vector<16xf32>
        %mul3A_264 = arith.constant 11.3137083 : f32
        %mul3A_265 = vector.broadcast %mul3A_264 : f32 to vector<16xf32>
        %mul3A_266 = arith.mulf %get3A_263, %mul3A_265 : vector<16xf32>
        %swap3A_267 = arith.index_cast %scan3A_189 : i32 to index
        %swap3A_268 = arith.constant 96 : index
        %swap3A_269 = tpu.vector_load %arg9[%swap3A_267, %swap3A_268] {strides = array<i32>} : memref<128x128xf32, #tpu.memory_space<vmem>>, vector<1x16xf32>,
        %swap3A_270 = vector.shape_cast %swap3A_269 : vector<1x16xf32> to vector<16xf32>
        %swap3A_271 = vector.shape_cast %mul3A_266 : vector<16xf32> to vector<1x16xf32>
        tpu.vector_store %arg9[%swap3A_267, %swap3A_268], %swap3A_271 {strides = array<i32>} : memref<128x128xf32, #tpu.memory_space<vmem>>, vector<1x16xf32>,
        %get3A_272 = arith.index_cast %scan3A_189 : i32 to index
        %get3A_273 = arith.constant 112 : index
        %get3A_274 = tpu.vector_load %arg9[%get3A_272, %get3A_273] {strides = array<i32>} : memref<128x128xf32, #tpu.memory_space<vmem>>, vector<1x16xf32>,
        %get3A_275 = vector.shape_cast %get3A_274 : vector<1x16xf32> to vector<16xf32>
        %mul3A_276 = arith.constant 11.3137083 : f32
        %mul3A_277 = vector.broadcast %mul3A_276 : f32 to vector<16xf32>
        %mul3A_278 = arith.mulf %get3A_275, %mul3A_277 : vector<16xf32>
        %swap3A_279 = arith.index_cast %scan3A_189 : i32 to index
        %swap3A_280 = arith.constant 112 : index
        %swap3A_281 = tpu.vector_load %arg9[%swap3A_279, %swap3A_280] {strides = array<i32>} : memref<128x128xf32, #tpu.memory_space<vmem>>, vector<1x16xf32>,
        %swap3A_282 = vector.shape_cast %swap3A_281 : vector<1x16xf32> to vector<16xf32>
        %swap3A_283 = vector.shape_cast %mul3A_278 : vector<16xf32> to vector<1x16xf32>
        tpu.vector_store %arg9[%swap3A_279, %swap3A_280], %swap3A_283 {strides = array<i32>} : memref<128x128xf32, #tpu.memory_space<vmem>>, vector<1x16xf32>,
      }
      %scan3A_152 = arith.constant 128 : i32
      %mul3A_153 = arith.constant 128 : i32
      %mul3A_154 = arith.muli %add3A_134, %mul3A_153 : i32
      %add3A_155 = arith.addi %mul3A_2, %mul3A_154 : i32
      %dma_start3A_156 = arith.constant 0 : i32
      %dma_start3A_157 = tpu.memref_slice %arg4[%add3A_155, %dma_start3A_156] : memref<204800x128xf32, #tpu.memory_space<hbm>> -> memref<128x128xf32, #tpu.memory_space<hbm>>
      %dma_start3A_158 = arith.constant 0 : i32
      %dma_start3A_159 = tpu.memref_slice %arg4[%add3A_155, %dma_start3A_158] : memref<204800x128xf32, #tpu.memory_space<hbm>> -> memref<128x128xf32, #tpu.memory_space<hbm>>
      tpu.enqueue_dma source(%arg9 : memref<128x128xf32, #tpu.memory_space<vmem>>) target(%dma_start3A_159 : memref<128x128xf32, #tpu.memory_space<hbm>>) target_semaphore(%arg19 : memref<!tpu.dma_semaphore, #tpu.memory_space<semaphore_mem>>)
      %mul3A_160 = arith.constant 5 : i32
      %mul3A_161 = arith.muli %scan3A_46, %mul3A_160 : i32
      %add3A_162 = arith.constant 4 : i32
      %add3A_163 = arith.addi %mul3A_161, %add3A_162 : i32
      %add3A_164 = arith.constant 4 : i32
      %add3A_165 = arith.addi %add3A_163, %add3A_164 : i32
      %lt3A_166 = arith.constant 50 : i32
      %lt3A_167 = arith.cmpi slt, %add3A_165, %lt3A_166 : i32
      %convert_element_type3A_168 = arith.extui %lt3A_167 : i1 to i32
      %cond3A_169 = arith.constant 0 : i32
      %cond3A_170 = arith.cmpi ne, %convert_element_type3A_168, %cond3A_169 : i32
      scf.if %cond3A_170 {
        %ge3A = arith.constant 1 : i32
        %ge3A_189 = arith.cmpi sge, %add3A_163, %ge3A : i32
        %convert_element_type3A_190 = arith.extui %ge3A_189 : i1 to i32
        %cond3A_191 = arith.constant 0 : i32
        %cond3A_192 = arith.cmpi ne, %convert_element_type3A_190, %cond3A_191 : i32
        scf.if %cond3A_192 {
          %dma_wait3A_201 = arith.constant 0 : i32
          %dma_wait3A_202 = tpu.memref_slice %arg4[%mul3A_2, %dma_wait3A_201] : memref<204800x128xf32, #tpu.memory_space<hbm>> -> memref<128x128xf32, #tpu.memory_space<hbm>>
          %dma_wait3A_203 = arith.constant 0 : i32
          %dma_wait3A_204 = tpu.memref_slice %arg4[%mul3A_2, %dma_wait3A_203] : memref<204800x128xf32, #tpu.memory_space<hbm>> -> memref<128x128xf32, #tpu.memory_space<hbm>>
          tpu.wait_dma2 semaphore(%arg19 : memref<!tpu.dma_semaphore, #tpu.memory_space<semaphore_mem>>) src(%arg9 : memref<128x128xf32, #tpu.memory_space<vmem>>) dst(%dma_wait3A_204 : memref<128x128xf32, #tpu.memory_space<hbm>>)
        } else {
        }
        %add3A_193 = arith.constant 4 : i32
        %add3A_194 = arith.addi %add3A_163, %add3A_193 : i32
        %mul3A_195 = arith.constant 128 : i32
        %mul3A_196 = arith.muli %add3A_194, %mul3A_195 : i32
        %dma_start3A_197 = tpu.memref_slice %arg5[%mul3A_196] : memref<6400xi32, #tpu.memory_space<vmem>> -> memref<128xi32, #tpu.memory_space<vmem>>
        %dma_start3A_198 = arith.constant 0 : i32
        %dma_start3A_199 = arith.constant 0 : i32
        %dma_start3A_200 = tpu.memref_slice %arg2[%dma_start3A_198, %dma_start3A_199] : memref<100000x128xf32, #tpu.memory_space<hbm>> -> memref<100000x128xf32, #tpu.memory_space<hbm>>
        tpu.enqueue_indirect_dma source(%dma_start3A_200 : memref<100000x128xf32, #tpu.memory_space<hbm>>) target(%arg9 : memref<128x128xf32, #tpu.memory_space<vmem>>) offsets(%dma_start3A_197 : memref<128xi32, #tpu.memory_space<vmem>>) semaphore(%arg14 : memref<!tpu.dma_semaphore, #tpu.memory_space<semaphore_mem>>)
      } else {
      }
      %dma_wait3A_171 = arith.constant 0 : i32
      %dma_wait3A_172 = tpu.memref_slice %arg5[%dma_wait3A_171] : memref<6400xi32, #tpu.memory_space<vmem>> -> memref<128xi32, #tpu.memory_space<vmem>>
      %dma_wait3A_173 = arith.constant 0 : i32
      %dma_wait3A_174 = arith.constant 0 : i32
      %dma_wait3A_175 = tpu.memref_slice %arg2[%dma_wait3A_173, %dma_wait3A_174] : memref<100000x128xf32, #tpu.memory_space<hbm>> -> memref<100000x128xf32, #tpu.memory_space<hbm>>
      tpu.wait_indirect_dma semaphore(%arg15 : memref<!tpu.dma_semaphore, #tpu.memory_space<semaphore_mem>>) src(%dma_wait3A_175 : memref<100000x128xf32, #tpu.memory_space<hbm>>) dst(%arg10 : memref<128x128xf32, #tpu.memory_space<vmem>>)
      %scan3A_176 = arith.constant 0 : i32
      %scan3A_177 = arith.constant 0 : i32
      %scan3A_178 = arith.constant 128 : i32
      %scan3A_179 = arith.addi %scan3A_177, %scan3A_178 : i32
      %scan3A_180 = arith.constant 1 : i32
      scf.for %scan3A_189 = %scan3A_177 to %scan3A_179 step %scan3A_180  : i32 {
        %get3A = arith.index_cast %scan3A_189 : i32 to index
        %get3A_190 = arith.constant 0 : index
        %get3A_191 = tpu.vector_load %arg10[%get3A, %get3A_190] {strides = array<i32>} : memref<128x128xf32, #tpu.memory_space<vmem>>, vector<1x16xf32>,
        %get3A_192 = vector.shape_cast %get3A_191 : vector<1x16xf32> to vector<16xf32>
        %mul3A_193 = arith.constant 11.3137083 : f32
        %mul3A_194 = vector.broadcast %mul3A_193 : f32 to vector<16xf32>
        %mul3A_195 = arith.mulf %get3A_192, %mul3A_194 : vector<16xf32>
        %swap3A = arith.index_cast %scan3A_189 : i32 to index
        %swap3A_196 = arith.constant 0 : index
        %swap3A_197 = tpu.vector_load %arg10[%swap3A, %swap3A_196] {strides = array<i32>} : memref<128x128xf32, #tpu.memory_space<vmem>>, vector<1x16xf32>,
        %swap3A_198 = vector.shape_cast %swap3A_197 : vector<1x16xf32> to vector<16xf32>
        %swap3A_199 = vector.shape_cast %mul3A_195 : vector<16xf32> to vector<1x16xf32>
        tpu.vector_store %arg10[%swap3A, %swap3A_196], %swap3A_199 {strides = array<i32>} : memref<128x128xf32, #tpu.memory_space<vmem>>, vector<1x16xf32>,
        %get3A_200 = arith.index_cast %scan3A_189 : i32 to index
        %get3A_201 = arith.constant 16 : index
        %get3A_202 = tpu.vector_load %arg10[%get3A_200, %get3A_201] {strides = array<i32>} : memref<128x128xf32, #tpu.memory_space<vmem>>, vector<1x16xf32>,
        %get3A_203 = vector.shape_cast %get3A_202 : vector<1x16xf32> to vector<16xf32>
        %mul3A_204 = arith.constant 11.3137083 : f32
        %mul3A_205 = vector.broadcast %mul3A_204 : f32 to vector<16xf32>
        %mul3A_206 = arith.mulf %get3A_203, %mul3A_205 : vector<16xf32>
        %swap3A_207 = arith.index_cast %scan3A_189 : i32 to index
        %swap3A_208 = arith.constant 16 : index
        %swap3A_209 = tpu.vector_load %arg10[%swap3A_207, %swap3A_208] {strides = array<i32>} : memref<128x128xf32, #tpu.memory_space<vmem>>, vector<1x16xf32>,
        %swap3A_210 = vector.shape_cast %swap3A_209 : vector<1x16xf32> to vector<16xf32>
        %swap3A_211 = vector.shape_cast %mul3A_206 : vector<16xf32> to vector<1x16xf32>
        tpu.vector_store %arg10[%swap3A_207, %swap3A_208], %swap3A_211 {strides = array<i32>} : memref<128x128xf32, #tpu.memory_space<vmem>>, vector<1x16xf32>,
        %get3A_212 = arith.index_cast %scan3A_189 : i32 to index
        %get3A_213 = arith.constant 32 : index
        %get3A_214 = tpu.vector_load %arg10[%get3A_212, %get3A_213] {strides = array<i32>} : memref<128x128xf32, #tpu.memory_space<vmem>>, vector<1x16xf32>,
        %get3A_215 = vector.shape_cast %get3A_214 : vector<1x16xf32> to vector<16xf32>
        %mul3A_216 = arith.constant 11.3137083 : f32
        %mul3A_217 = vector.broadcast %mul3A_216 : f32 to vector<16xf32>
        %mul3A_218 = arith.mulf %get3A_215, %mul3A_217 : vector<16xf32>
        %swap3A_219 = arith.index_cast %scan3A_189 : i32 to index
        %swap3A_220 = arith.constant 32 : index
        %swap3A_221 = tpu.vector_load %arg10[%swap3A_219, %swap3A_220] {strides = array<i32>} : memref<128x128xf32, #tpu.memory_space<vmem>>, vector<1x16xf32>,
        %swap3A_222 = vector.shape_cast %swap3A_221 : vector<1x16xf32> to vector<16xf32>
        %swap3A_223 = vector.shape_cast %mul3A_218 : vector<16xf32> to vector<1x16xf32>
        tpu.vector_store %arg10[%swap3A_219, %swap3A_220], %swap3A_223 {strides = array<i32>} : memref<128x128xf32, #tpu.memory_space<vmem>>, vector<1x16xf32>,
        %get3A_224 = arith.index_cast %scan3A_189 : i32 to index
        %get3A_225 = arith.constant 48 : index
        %get3A_226 = tpu.vector_load %arg10[%get3A_224, %get3A_225] {strides = array<i32>} : memref<128x128xf32, #tpu.memory_space<vmem>>, vector<1x16xf32>,
        %get3A_227 = vector.shape_cast %get3A_226 : vector<1x16xf32> to vector<16xf32>
        %mul3A_228 = arith.constant 11.3137083 : f32
        %mul3A_229 = vector.broadcast %mul3A_228 : f32 to vector<16xf32>
        %mul3A_230 = arith.mulf %get3A_227, %mul3A_229 : vector<16xf32>
        %swap3A_231 = arith.index_cast %scan3A_189 : i32 to index
        %swap3A_232 = arith.constant 48 : index
        %swap3A_233 = tpu.vector_load %arg10[%swap3A_231, %swap3A_232] {strides = array<i32>} : memref<128x128xf32, #tpu.memory_space<vmem>>, vector<1x16xf32>,
        %swap3A_234 = vector.shape_cast %swap3A_233 : vector<1x16xf32> to vector<16xf32>
        %swap3A_235 = vector.shape_cast %mul3A_230 : vector<16xf32> to vector<1x16xf32>
        tpu.vector_store %arg10[%swap3A_231, %swap3A_232], %swap3A_235 {strides = array<i32>} : memref<128x128xf32, #tpu.memory_space<vmem>>, vector<1x16xf32>,
        %get3A_236 = arith.index_cast %scan3A_189 : i32 to index
        %get3A_237 = arith.constant 64 : index
        %get3A_238 = tpu.vector_load %arg10[%get3A_236, %get3A_237] {strides = array<i32>} : memref<128x128xf32, #tpu.memory_space<vmem>>, vector<1x16xf32>,
        %get3A_239 = vector.shape_cast %get3A_238 : vector<1x16xf32> to vector<16xf32>
        %mul3A_240 = arith.constant 11.3137083 : f32
        %mul3A_241 = vector.broadcast %mul3A_240 : f32 to vector<16xf32>
        %mul3A_242 = arith.mulf %get3A_239, %mul3A_241 : vector<16xf32>
        %swap3A_243 = arith.index_cast %scan3A_189 : i32 to index
        %swap3A_244 = arith.constant 64 : index
        %swap3A_245 = tpu.vector_load %arg10[%swap3A_243, %swap3A_244] {strides = array<i32>} : memref<128x128xf32, #tpu.memory_space<vmem>>, vector<1x16xf32>,
        %swap3A_246 = vector.shape_cast %swap3A_245 : vector<1x16xf32> to vector<16xf32>
        %swap3A_247 = vector.shape_cast %mul3A_242 : vector<16xf32> to vector<1x16xf32>
        tpu.vector_store %arg10[%swap3A_243, %swap3A_244], %swap3A_247 {strides = array<i32>} : memref<128x128xf32, #tpu.memory_space<vmem>>, vector<1x16xf32>,
        %get3A_248 = arith.index_cast %scan3A_189 : i32 to index
        %get3A_249 = arith.constant 80 : index
        %get3A_250 = tpu.vector_load %arg10[%get3A_248, %get3A_249] {strides = array<i32>} : memref<128x128xf32, #tpu.memory_space<vmem>>, vector<1x16xf32>,
        %get3A_251 = vector.shape_cast %get3A_250 : vector<1x16xf32> to vector<16xf32>
        %mul3A_252 = arith.constant 11.3137083 : f32
        %mul3A_253 = vector.broadcast %mul3A_252 : f32 to vector<16xf32>
        %mul3A_254 = arith.mulf %get3A_251, %mul3A_253 : vector<16xf32>
        %swap3A_255 = arith.index_cast %scan3A_189 : i32 to index
        %swap3A_256 = arith.constant 80 : index
        %swap3A_257 = tpu.vector_load %arg10[%swap3A_255, %swap3A_256] {strides = array<i32>} : memref<128x128xf32, #tpu.memory_space<vmem>>, vector<1x16xf32>,
        %swap3A_258 = vector.shape_cast %swap3A_257 : vector<1x16xf32> to vector<16xf32>
        %swap3A_259 = vector.shape_cast %mul3A_254 : vector<16xf32> to vector<1x16xf32>
        tpu.vector_store %arg10[%swap3A_255, %swap3A_256], %swap3A_259 {strides = array<i32>} : memref<128x128xf32, #tpu.memory_space<vmem>>, vector<1x16xf32>,
        %get3A_260 = arith.index_cast %scan3A_189 : i32 to index
        %get3A_261 = arith.constant 96 : index
        %get3A_262 = tpu.vector_load %arg10[%get3A_260, %get3A_261] {strides = array<i32>} : memref<128x128xf32, #tpu.memory_space<vmem>>, vector<1x16xf32>,
        %get3A_263 = vector.shape_cast %get3A_262 : vector<1x16xf32> to vector<16xf32>
        %mul3A_264 = arith.constant 11.3137083 : f32
        %mul3A_265 = vector.broadcast %mul3A_264 : f32 to vector<16xf32>
        %mul3A_266 = arith.mulf %get3A_263, %mul3A_265 : vector<16xf32>
        %swap3A_267 = arith.index_cast %scan3A_189 : i32 to index
        %swap3A_268 = arith.constant 96 : index
        %swap3A_269 = tpu.vector_load %arg10[%swap3A_267, %swap3A_268] {strides = array<i32>} : memref<128x128xf32, #tpu.memory_space<vmem>>, vector<1x16xf32>,
        %swap3A_270 = vector.shape_cast %swap3A_269 : vector<1x16xf32> to vector<16xf32>
        %swap3A_271 = vector.shape_cast %mul3A_266 : vector<16xf32> to vector<1x16xf32>
        tpu.vector_store %arg10[%swap3A_267, %swap3A_268], %swap3A_271 {strides = array<i32>} : memref<128x128xf32, #tpu.memory_space<vmem>>, vector<1x16xf32>,
        %get3A_272 = arith.index_cast %scan3A_189 : i32 to index
        %get3A_273 = arith.constant 112 : index
        %get3A_274 = tpu.vector_load %arg10[%get3A_272, %get3A_273] {strides = array<i32>} : memref<128x128xf32, #tpu.memory_space<vmem>>, vector<1x16xf32>,
        %get3A_275 = vector.shape_cast %get3A_274 : vector<1x16xf32> to vector<16xf32>
        %mul3A_276 = arith.constant 11.3137083 : f32
        %mul3A_277 = vector.broadcast %mul3A_276 : f32 to vector<16xf32>
        %mul3A_278 = arith.mulf %get3A_275, %mul3A_277 : vector<16xf32>
        %swap3A_279 = arith.index_cast %scan3A_189 : i32 to index
        %swap3A_280 = arith.constant 112 : index
        %swap3A_281 = tpu.vector_load %arg10[%swap3A_279, %swap3A_280] {strides = array<i32>} : memref<128x128xf32, #tpu.memory_space<vmem>>, vector<1x16xf32>,
        %swap3A_282 = vector.shape_cast %swap3A_281 : vector<1x16xf32> to vector<16xf32>
        %swap3A_283 = vector.shape_cast %mul3A_278 : vector<16xf32> to vector<1x16xf32>
        tpu.vector_store %arg10[%swap3A_279, %swap3A_280], %swap3A_283 {strides = array<i32>} : memref<128x128xf32, #tpu.memory_space<vmem>>, vector<1x16xf32>,
      }
      %scan3A_181 = arith.constant 128 : i32
      %mul3A_182 = arith.constant 128 : i32
      %mul3A_183 = arith.muli %add3A_163, %mul3A_182 : i32
      %add3A_184 = arith.addi %mul3A_2, %mul3A_183 : i32
      %dma_start3A_185 = arith.constant 0 : i32
      %dma_start3A_186 = tpu.memref_slice %arg4[%add3A_184, %dma_start3A_185] : memref<204800x128xf32, #tpu.memory_space<hbm>> -> memref<128x128xf32, #tpu.memory_space<hbm>>
      %dma_start3A_187 = arith.constant 0 : i32
      %dma_start3A_188 = tpu.memref_slice %arg4[%add3A_184, %dma_start3A_187] : memref<204800x128xf32, #tpu.memory_space<hbm>> -> memref<128x128xf32, #tpu.memory_space<hbm>>
      tpu.enqueue_dma source(%arg10 : memref<128x128xf32, #tpu.memory_space<vmem>>) target(%dma_start3A_188 : memref<128x128xf32, #tpu.memory_space<hbm>>) target_semaphore(%arg20 : memref<!tpu.dma_semaphore, #tpu.memory_space<semaphore_mem>>)
    }
    %scan3A_26 = arith.constant 10 : i32
    %dma_wait3A = arith.constant 0 : i32
    %dma_wait3A_27 = tpu.memref_slice %arg4[%mul3A_2, %dma_wait3A] : memref<204800x128xf32, #tpu.memory_space<hbm>> -> memref<128x128xf32, #tpu.memory_space<hbm>>
    %dma_wait3A_28 = arith.constant 0 : i32
    %dma_wait3A_29 = tpu.memref_slice %arg4[%mul3A_2, %dma_wait3A_28] : memref<204800x128xf32, #tpu.memory_space<hbm>> -> memref<128x128xf32, #tpu.memory_space<hbm>>
    tpu.wait_dma2 semaphore(%arg16 : memref<!tpu.dma_semaphore, #tpu.memory_space<semaphore_mem>>) src(%arg6 : memref<128x128xf32, #tpu.memory_space<vmem>>) dst(%dma_wait3A_29 : memref<128x128xf32, #tpu.memory_space<hbm>>)
    %dma_wait3A_30 = arith.constant 0 : i32
    %dma_wait3A_31 = tpu.memref_slice %arg4[%mul3A_2, %dma_wait3A_30] : memref<204800x128xf32, #tpu.memory_space<hbm>> -> memref<128x128xf32, #tpu.memory_space<hbm>>
    %dma_wait3A_32 = arith.constant 0 : i32
    %dma_wait3A_33 = tpu.memref_slice %arg4[%mul3A_2, %dma_wait3A_32] : memref<204800x128xf32, #tpu.memory_space<hbm>> -> memref<128x128xf32, #tpu.memory_space<hbm>>
    tpu.wait_dma2 semaphore(%arg17 : memref<!tpu.dma_semaphore, #tpu.memory_space<semaphore_mem>>) src(%arg7 : memref<128x128xf32, #tpu.memory_space<vmem>>) dst(%dma_wait3A_33 : memref<128x128xf32, #tpu.memory_space<hbm>>)
    %dma_wait3A_34 = arith.constant 0 : i32
    %dma_wait3A_35 = tpu.memref_slice %arg4[%mul3A_2, %dma_wait3A_34] : memref<204800x128xf32, #tpu.memory_space<hbm>> -> memref<128x128xf32, #tpu.memory_space<hbm>>
    %dma_wait3A_36 = arith.constant 0 : i32
    %dma_wait3A_37 = tpu.memref_slice %arg4[%mul3A_2, %dma_wait3A_36] : memref<204800x128xf32, #tpu.memory_space<hbm>> -> memref<128x128xf32, #tpu.memory_space<hbm>>
    tpu.wait_dma2 semaphore(%arg18 : memref<!tpu.dma_semaphore, #tpu.memory_space<semaphore_mem>>) src(%arg8 : memref<128x128xf32, #tpu.memory_space<vmem>>) dst(%dma_wait3A_37 : memref<128x128xf32, #tpu.memory_space<hbm>>)
    %dma_wait3A_38 = arith.constant 0 : i32
    %dma_wait3A_39 = tpu.memref_slice %arg4[%mul3A_2, %dma_wait3A_38] : memref<204800x128xf32, #tpu.memory_space<hbm>> -> memref<128x128xf32, #tpu.memory_space<hbm>>
    %dma_wait3A_40 = arith.constant 0 : i32
    %dma_wait3A_41 = tpu.memref_slice %arg4[%mul3A_2, %dma_wait3A_40] : memref<204800x128xf32, #tpu.memory_space<hbm>> -> memref<128x128xf32, #tpu.memory_space<hbm>>
    tpu.wait_dma2 semaphore(%arg19 : memref<!tpu.dma_semaphore, #tpu.memory_space<semaphore_mem>>) src(%arg9 : memref<128x128xf32, #tpu.memory_space<vmem>>) dst(%dma_wait3A_41 : memref<128x128xf32, #tpu.memory_space<hbm>>)
    %dma_wait3A_42 = arith.constant 0 : i32
    %dma_wait3A_43 = tpu.memref_slice %arg4[%mul3A_2, %dma_wait3A_42] : memref<204800x128xf32, #tpu.memory_space<hbm>> -> memref<128x128xf32, #tpu.memory_space<hbm>>
    %dma_wait3A_44 = arith.constant 0 : i32
    %dma_wait3A_45 = tpu.memref_slice %arg4[%mul3A_2, %dma_wait3A_44] : memref<204800x128xf32, #tpu.memory_space<hbm>> -> memref<128x128xf32, #tpu.memory_space<hbm>>
    tpu.wait_dma2 semaphore(%arg20 : memref<!tpu.dma_semaphore, #tpu.memory_space<semaphore_mem>>) src(%arg10 : memref<128x128xf32, #tpu.memory_space<vmem>>) dst(%dma_wait3A_45 : memref<128x128xf32, #tpu.memory_space<hbm>>)
    return
  }
}

</mosaic_0001>

<sc_bundles>
// kernel: kernel.3.cloned.1.call-start
scs
__scs_entry_jumppad:
0x0: {  	(pc) =	sbr.rel $0x88, $3  }
0x1: {  	(tag) =	ssettag $0x0;
	lr =	simm.s32 $0x1  }
0x2: {  	[smem:$0x3F9F] =	sst lr;
	_ =	strace $0xD0000000  }
0x3: {  	_ = 	snop  }
0x4: {  	_ = 	snop  }
0x5: {  	_ = 	snop  }
0x6: {  	_ = 	snop  }
0x7: {  	_ = 	snop  }
__scs_overlays_trampoline_lowered:
0x8: {  	[smem:$0x3FAE] =	sst s0  }
0x9: {  	[smem:$0x3FAF] =	sst s1  }
0xa: {  	[smem:$0x3FB0] =	sst s2  }
0xb: {  	[smem:$0x3FB1] =	sst s3  }
0xc: {  	[smem:$0x3FB2] =	sst s4  }
0xd: {  	[smem:$0x3FB3] =	sst s5  }
0xe: {  	[smem:$0x3FB4] =	sst s6  }
0xf: {  	[smem:$0x3FB5] =	sst s7  }
0x10: {  	[smem:$0x3FB6] =	sst s8  }
0x11: {  	[smem:$0x3FB7] =	sst s9;
	s0 =	simm.s32 @!p0 $0x0  }
0x12: {  	s1 =	sld [smem:$0x3F9D];
	s0 =	simm.s32 @p0 $0x1  }
0x13: {  	[smem:$0x3FB8] =	sst s0;
	s0 =	simm.s32 @!p1 $0x0  }
0x14: {  	s2 =	sld [smem:$0x3F9C];
	s0 =	simm.s32 @p1 $0x1  }
0x15: {  	[smem:$0x3FB9] =	sst s0;
	s0 =	simm.s32 @!p2 $0x0  }
0x16: {  	s3 =	sld [smem:$0x3FDB];
	s0 =	simm.s32 @p2 $0x1  }
0x17: {  	s4 =	simm.s32 $0x1BF5;
	[smem:$0x3FBB] =	sst s0  }
0x18: {  	s0 =	sld [smem:$0x3F9E];
	_ =	swait.ge [sflag:s4], $0x0  }
0x19: {  	s7 =	sld [smem:$0x3F9F]  }
0x1a: {  	s8 =	sadd.s32 $0xFFFFE003, lr  }
0x1b: {  	s9 =	sadd.s32 $0xFFFFFEF7, lr;
	s5 =	simm.s32 $0xFFFFFFFF;
	p2 =	slt.u32 s8, $0xFFFFF086  }
0x1c: {  	p1 =	slt.u32 s9, $0xF7A;
	s5 =	simm.s32 @!p2 $0x0  }
0x1d: {  	s5 =	simm.s32 @p1 $0x1;
	p0 =	seq.s32 s7, s2  }
0x1e: {  	s7 =	smul.u32 @!p0 $0xF7A, s2;
	p2 =	seq.s32 @!p0 s5, $0x0  }
0x1f: {  	s9 =	smul.u32 $0xF7A, s1;
	s8 =	simm.s32 @!p0 $0x1BF5;
	p2 =	por !p2, p0  }
0x20: {  	[sflag:s8] =	ssyncset.s32 @!p0 $0xFFFFF086;
	s6 =	sadd.s32 @!p0 s3, s7;
	s7 =	simm.s32 @!p0 $0x108  }
0x21: {  	s3 =	sadd.s32 s3, s9;
	s6 =	sadd.s32 @!p0 $0x88, s6;
	s7 =	simm.s32 @p2 $0x1082  }
0x22: {  	[simem:s7], [sflag:s8] =	dma.local @!p0 [hbm:s6], $0xF7A  }
0x23: {  	s9 =	sor.u32 $0xD0000000, s2;
	s6 =	simm.s32 $0x108;
	_ =	swait.ge @!p0 [sflag:s8], $0x0  }
0x24: {  	s3 =	sadd.s32 $0x88, s3;
	s6 =	simm.s32 @!p1 $0x1082;
	[sflag:s4] =	ssyncset.s32 $0xFFFFF086  }
0x25: {  	[simem:s6], [sflag:s4] =	dma.local [hbm:s3], $0xF7A  }
0x26: {  	[smem:$0x3F9F] =	sst s1;
	(tag) =	ssettag s2;
	_ =	strace s9  }
0x27: {  	s1 =	sld [smem:$0x3FAF]  }
0x28: {  	s2 =	sld [smem:$0x3FB0]  }
0x29: {  	s4 =	sld [smem:$0x3FB2]  }
0x2a: {  	p0 =	seq.s32 s5, $0x0;
	s5 =	sld [smem:$0x3FB3]  }
0x2b: {  	s6 =	sld [smem:$0x3FB4]  }
0x2c: {  	s7 =	sld [smem:$0x3FB5]  }
0x2d: {  	s3 =	simm.s32 $0x108;
	s8 =	sld [smem:$0x3FB6]  }
0x2e: {  	s3 =	simm.s32 @!p0 $0x1082;
	s9 =	sld [smem:$0x3FB7]  }
0x2f: {  	lr =	sadd.s32 s0, s3;
	s0 =	sld [smem:$0x3FAE]  }
0x30: {  	s3 =	sld [smem:$0x3FB1]  }
0x31: {  	[smem:$0x3FBA] =	sst s10  }
0x32: {  	s10 =	sld [smem:$0x3FB8];
	_ =	sdelay $0x3  }
0x33: {  	p0 =	seq.s32 s10, $0x1;
	s10 =	sld [smem:$0x3FBA];
	_ =	sdelay $0x3  }
0x34: {  	[smem:$0x3FBA] =	sst s10  }
0x35: {  	s10 =	sld [smem:$0x3FB9];
	_ =	sdelay $0x3  }
0x36: {  	p1 =	seq.s32 s10, $0x1;
	s10 =	sld [smem:$0x3FBA];
	_ =	sdelay $0x3  }
0x37: {  	[smem:$0x3FBA] =	sst s10  }
0x38: {  	s10 =	sld [smem:$0x3FBB]  }
0x39: {  	_ = 	snop;
	(pc) =	sbr.ind lr, $3  }
0x3a: {  	_ = 	snop  }
0x3b: {  	_ = 	snop  }
0x3c: {  	p2 =	seq.s32 s10, $0x1;
	s10 =	sld [smem:$0x3FBA]  }
0x3d: {  	_ =	shalt  }
0x3e: {  	_ =	shalt  }
0x3f: {  	_ =	shalt  }
0x40: {  	_ =	shalt  }
0x41: {  	_ =	shalt  }
0x42: {  	_ =	shalt  }
0x43: {  	_ =	shalt  }
0x44: {  	_ =	shalt  }
0x45: {  	_ =	shalt  }
0x46: {  	_ =	shalt  }
0x47: {  	_ =	shalt  }
0x48: {  	_ =	shalt  }
0x49: {  	_ =	shalt  }
0x4a: {  	_ =	shalt  }
0x4b: {  	_ =	shalt  }
0x4c: {  	_ =	shalt  }
0x4d: {  	_ =	shalt  }
0x4e: {  	_ =	shalt  }
0x4f: {  	_ =	shalt  }
0x50: {  	_ =	shalt  }
0x51: {  	_ =	shalt  }
0x52: {  	_ =	shalt  }
0x53: {  	_ =	shalt  }
0x54: {  	_ =	shalt  }
0x55: {  	_ =	shalt  }
0x56: {  	_ =	shalt  }
0x57: {  	_ =	shalt  }
0x58: {  	_ =	shalt  }
0x59: {  	_ =	shalt  }
0x5a: {  	_ =	shalt  }
0x5b: {  	_ =	shalt  }
0x5c: {  	_ =	shalt  }
0x5d: {  	_ =	shalt  }
0x5e: {  	_ =	shalt  }
0x5f: {  	_ =	shalt  }
0x60: {  	_ =	shalt  }
0x61: {  	_ =	shalt  }
0x62: {  	_ =	shalt  }
0x63: {  	_ =	shalt  }
0x64: {  	_ =	shalt  }
0x65: {  	_ =	shalt  }
0x66: {  	_ =	shalt  }
0x67: {  	_ =	shalt  }
0x68: {  	_ =	shalt  }
0x69: {  	_ =	shalt  }
0x6a: {  	_ =	shalt  }
0x6b: {  	_ =	shalt  }
0x6c: {  	_ =	shalt  }
0x6d: {  	_ =	shalt  }
0x6e: {  	_ =	shalt  }
0x6f: {  	_ =	shalt  }
0x70: {  	_ =	shalt  }
0x71: {  	_ =	shalt  }
0x72: {  	_ =	shalt  }
0x73: {  	_ =	shalt  }
0x74: {  	_ =	shalt  }
0x75: {  	_ =	shalt  }
0x76: {  	_ =	shalt  }
0x77: {  	_ =	shalt  }
0x78: {  	_ =	shalt  }
0x79: {  	_ =	shalt  }
0x7a: {  	_ =	shalt  }
0x7b: {  	_ =	shalt  }
0x7c: {  	_ =	shalt  }
0x7d: {  	_ =	shalt  }
0x7e: {  	_ =	shalt  }
0x7f: {  	_ =	shalt  }
0x80: {  	_ =	shalt  }
0x81: {  	_ =	shalt  }
0x82: {  	_ =	shalt  }
0x83: {  	_ =	shalt  }
0x84: {  	_ =	shalt  }
0x85: {  	_ =	shalt  }
0x86: {  	_ =	shalt  }
0x87: {  	_ =	shalt  }
.Lfunc_end0:
.L_simem_size_0:
called_computation_lowered:
.L_overlay_start_0:
0x88: {  	s2 =	sld [smem:$0x3FD9]  }
0x89: {  	s3 =	sld [smem:$0x3FFE];
	_ =	sdelay $0x1  }
0x8a: {  	s1 =	srdreg.scid  }
0x8b: {  	s0 =	sand.u32 $0x1, s1  }
0x8c: {  	s17 =	sshll.u32 s0, $0xA;
	s2 =	sadd.s32 s3, s2  }
0x8d: {  	s2 =	sadd.s32 s2, s17  }
0x8e: {  	[smem:$0x3FC6] =	sst s2  }
0x8f: {  	_ = 	snop  }
0x90: {  	s2 =	sld [smem:$0x3FC8]  }
0x91: {  	s18 =	sld [smem:$0x3FD0];
	(tm) =	ssettm $0x1  }
0x92: {  	s4 =	sld [smem:$0x3FFB];
	_ =	sdelay $0x3  }
0x93: {  	_ =	strace s4  }
0x94: {  	s4 =	sld [smem:$0x3FFC];
	_ =	sdelay $0x3  }
0x95: {  	_ =	strace s4  }
0x96: {  	s4 =	sld [smem:$0x3FFD];
	_ =	sdelay $0x3  }
0x97: {  	_ =	strace s4  }
0x98: {  	_ =	strace $0x8FFFFFFF  }
0x99: {  	s19 =	sld [smem:$0x3FDB];
	_ =	sdelay $0x1  }
0x9a: {  	s5 =	simm.s32 $_scs_section_size  }
0x9b: {  	s6 =	simm.s32 $_size__tile_overlayer_lowered;
	s7 =	simm.s32 $_tile_overlayer_lowered  }
0x9c: {  	s22 =	simm.s32 $0x1BFF;
	s21 =	sshll.u32 s7, $0x1;
	s4 =	sadd.s32 s5, s19  }
0x9d: {  	s8 =	simm.s32 $0x0;
	s20 =	sshll.u32 s6, $0x1;
	s6 =	sadd.s32 s21, s4  }
0x9e: {  	[timem:s8], [sflag:s22] =	dma.local [hbm:s6], s20  }
0x9f: {  	_ =	swait.ge [sflag:s22], s20  }
0xa0: {  	s5 =	ssub.s32 $0x0, s20;
	[sflag:s22] =	ssyncset.done $0x0  }
0xa1: {  	[sflag:s22] =	ssyncadd.s32 s5;
	_ =	sdelay $0x1  }
0xa2: {  	s23 =	simm.s32 $0x1B8B  }
0xa3: {  	_ =	swait.ge [sflag:s23], $0x1  }
0xa4: {  	[sflag:s23] =	ssyncset.done $0x0  }
0xa5: {  	s25 =	simm.s32 $0x1B8E;
	s24 =	sld [smem:$0x3FFE];
	[sflag:s23] =	ssyncadd.s32 $0xFFFFFFFF  }
0xa6: {  	s26 =	simm.s32 $execute0_lowered;
	[smem:$0x3FD2] =	sst s25  }
0xa7: {  	s6 =	sshll.u32 s26, $0x1;
	_ =	strace $0x80000046;
	[dreg:$0x1] =	wrdreg $0xFFFFFFFF  }
0xa8: {  	s28 =	simm.s32 $_size_execute0_lowered;
	s4 =	sadd.s32 s4, s6;
	[dreg:$0x0] =	wrdreg $0x0  }
0xa9: {  	s6 =	sshll.u32 s28, $0x1;
	[dreg:$0x2] =	wrdreg s4  }
0xaa: {  	[dreg:$0x3] =	wrdreg s6  }
0xab: {  	[dreg:$0x4] =	wrdreg $0xC0  }
0xac: {  	_ =	task [dreg:s8], $0x5FFFF  }
0xad: {  	[dreg:$0x1] =	wrdreg $0xFFFFFFFF  }
0xae: {  	[dreg:$0x0] =	wrdreg $0x60  }
0xaf: {  	[dreg:$0x2] =	wrdreg s2  }
0xb0: {  	[dreg:$0x3] =	wrdreg s24  }
0xb1: {  	[dreg:$0x4] =	wrdreg s18  }
0xb2: {  	[dreg:$0x5] =	wrdreg $0x9  }
0xb3: {  	_ =	task.clear_ibuf [dreg:s8], $0x6FFFF;
	_ =	strace $0x90000046  }
0xb4: {  	s29 =	simm.s32 $0x9;
	_ =	strace $0x80000048  }
0xb5: {  	_ =	swait.ge [sflag:s29], $0x1  }
0xb6: {  	[sflag:s29] =	ssyncadd.s32 $0xFFFFFFFF  }
0xb7: {  	_ =	strace $0x90000048  }
0xb8: {  	_ =	sfence  }
0xb9: {  	s30 =	sld [smem:$0x0];
	_ =	sdelay $0x2  }
0xba: {  	s31 =	sshll.u32 s1, $0xD;
	s1 =	sshrl.u32 s1, $0x2  }
0xbb: {  	s3 =	sand.u32 $0x4000, s31;
	s1 =	sadd.s32 s1, s30  }
0xbc: {  	s0 =	sor.u32 s3, s0;
	s1 =	sshll.u32 s1, $0x11  }
0xbd: {  	s0 =	sor.u32 s1, s0  }
0xbe: {  	s0 =	sadd.s32 $0x8F2B, s0  }
0xbf: {  	[sflag:s0] =	ssyncadd.remote.s32 $0x1  }
0xc0: {  	_ =	sfence.sel $0xFFFF  }
0xc1: {  	[dreg:$0x0] =	wrdreg $0xFFFFFFFF;
	(pc) =	sbr.abs _section_cstart, $3  }
0xc2: {  	[dreg:$0x1] =	wrdreg $0xFFFFFFFF  }
0xc3: {  	_ =	task.clear_ibuf [dreg:s8], $0x2FFFF;
	_ =	strace $0x9FFFFFFF  }
0xc4: {  	(tm) =	ssettm $0x7FFFFFFF  }
0xc5: {  	_ =	shalt  }
tec
execute0_lowered:
.L_overlay_start_1:
0x0: {  	(tag) =	ssettag $0x1  }
0x1: {  	s1 =	rddreg [dreg:$0x0]  }
0x2: {  	s0 =	srdreg.scid;
	s6 =	rddreg [dreg:$0x1]  }
0x3: {  	s2 =	stileid.u32;
	s3 =	rddreg [dreg:$0x2]  }
0x4: {  	s5 =	simm.s32 $0x0;
	s13 =	simm.s32 $0x80;
	s14 =	simm.s32 $0x1900  }
0x5: {  	s15 =	simm.s32 $0x5900;
	s17 =	simm.s32 $0x9900;
	s19 =	simm.s32 $0xD900  }
0x6: {  	s20 =	simm.s32 $0x11900;
	s21 =	simm.s32 $0x1;
	s22 =	simm.s32 $0x2  }
0x7: {  	s23 =	simm.s32 $0x3;
	s24 =	simm.s32 $0x4;
	s25 =	simm.s32 $0x5  }
0x8: {  	s28 =	simm.s32 $0x7;
	s0 =	sand.u32 $0x1, s0;
	s2 =	sshll.u32 s2, $0x1  }
0x9: {  	s29 =	simm.s32 $0x8;
	s30 =	simm.s32 $0x9;
	s2 =	sor.u32 s0, s2  }
0xa: {  	[smem:$0x7FF] =	sst s5;
	s0 =	ssub.s32 $0x2, s0;
	s4 =	smul.u32 $0x1900, s2  }
0xb: {  	s31 =	simm.s32 $0xA;
	_ =	strace $0x80000047;
	s8 =	sshrl.u32 s0, $0x1  }
0xc: {  	s0 =	ssub.s32 s0, s8;
	s7 =	sshrl.u32 s4, $0x3;
	s8 =	sor.u32 $0x80, s4  }
0xd: {  	s0 =	smax.u32 s0, $0x1;
	s7 =	sadd.s32 s7, s6;
	s6 =	smul.u32 $0xC8000, s2  }
0xe: {  	[dreg:$0x5] =	wrdreg s0;
	s2 =	simm.s32 $0x0;
	s26 =	sadd.s32 $0x400, s7  }
0xf: {  	[dreg:$0x4] =	wrdreg s26;
	s9 =	sadd.s32 $0x8000, s6;
	s10 =	sadd.s32 $0xC000, s6  }
.LBB2_1:
0x10: {  	s0 =	rddreg [dreg:$0x4];
	s16 =	simm.s32 $0xB  }
0x11: {  	[tilespmem:s5], [sflag:$0xB] =	stream.linear.gather [hbm4b:s0+s5], $0x1900, $0x38;
	[tilespmem:$0x15900] =	vst v63  }
0x12: {  	_ =	swait.ge [sflag:s16], $0x1900  }
0x13: {  	[sflag:s16] =	ssyncset.done $0x0  }
0x14: {  	[sflag:s16] =	ssyncadd.s32 $0xFFFFE700  }
0x15: {  	[tilespmem:s14], [sflag:$0x1] =	stream.indirect.gather [hbm4b:s1+s13], $0x80, s5, s13, $0xb8;
	[tilespmem:$0x15900] =	vst v63  }
0x16: {  	_ = 	snop  }
0x17: {  	[tilespmem:s15], [sflag:$0x2] =	stream.indirect.gather [hbm4b:s1+s13], $0x80, s13, s13, $0xb8;
	[tilespmem:$0x15900] =	vst v63  }
0x18: {  	s18 =	simm.s32 $0x100  }
0x19: {  	[tilespmem:s17], [sflag:$0x3] =	stream.indirect.gather [hbm4b:s1+s13], $0x80, s18, s13, $0xb8;
	[tilespmem:$0x15900] =	vst v63  }
0x1a: {  	s26 =	simm.s32 $0x180;
	s0 =	simm.s32 $0x0  }
0x1b: {  	[tilespmem:s19], [sflag:$0x4] =	stream.indirect.gather [hbm4b:s1+s13], $0x80, s26, s13, $0xb8;
	[tilespmem:$0x15900] =	vst v63  }
.LBB2_2:
0x1c: {  	s7 =	smul.u32 $0x5, s0;
	p0 =	seq.s32 s0, $0x0  }
0x1d: {  	s11 =	simm.s32 @!p0 $0xA  }
0x1e: {  	s16 =	sadd.s32 $0x4, s7;
	_ =	swait.ge @!p0 [sflag:s11], $0x4000  }
0x1f: {  	[sflag:s11] =	ssyncset.done @!p0 $0x0;
	s7 =	sshll.u32 s16, $0x7  }
0x20: {  	[sflag:s11] =	ssyncadd.s32 @!p0 $0xFFFFC000;
	s7 =	sand.u32 $0x3FFFFF80, s7  }
0x21: {  	[tilespmem:s20], [sflag:$0x5] =	stream.indirect.gather [hbm4b:s1+s13], $0x80, s7, s13, $0xb8;
	[tilespmem:$0x15900] =	vst v63  }
0x22: {  	_ =	swait.ge [sflag:s21], $0x4000  }
0x23: {  	[sflag:s21] =	ssyncset.done $0x0  }
0x24: {  	s18 =	simm.s32 $0x0;
	[sflag:s21] =	ssyncadd.s32 $0xFFFFC000  }
0x25: {  	v2 =	vld [tilespmem:s18+$0x1900]  }
0x26: {  	v5 =	vld [tilespmem:s18+$0x1910]  }
0x27: {  	v4 =	vld [tilespmem:s18+$0x1920]  }
0x28: {  	v3 =	vld [tilespmem:s18+$0x1930]  }
0x29: {  	v0 =	vld [tilespmem:s18+$0x1940]  }
0x2a: {  	v1 =	vld [tilespmem:s18+$0x1950];
	v6 =	vmul.f32 $1.131370830e+01, v2  }
0x2b: {  	s7 =	simm.s32 $0x200;
	v5 =	vmul.f32 $1.131370830e+01, v5;
	v2 =	vld [tilespmem:s18+$0x1960]  }
.LBB2_3:
0x2c: {  	s11 =	sshra.s32 s7, $0x2;
	p0 =	sne.s32 s7, $0xFE00;
	[tilespmem:s18+$0x1900] =	vst v6;
	v4 =	vmul.f32 $1.131370830e+01, v4;
	v6 =	vld [tilespmem:s18+$0x1970]  }
0x2d: {  	v7 =	vld [tilespmem:s11+$0x1900];
	[tilespmem:s18+$0x1910] =	vst v5;
	v3 =	vmul.f32 $1.131370830e+01, v3  }
0x2e: {  	v5 =	vld [tilespmem:s11+$0x1910];
	[tilespmem:s18+$0x1920] =	vst v4;
	v0 =	vmul.f32 $1.131370830e+01, v0  }
.Ltmp0:
0x2f: {  	v4 =	vld [tilespmem:s11+$0x1920];
	[tilespmem:s18+$0x1930] =	vst v3;
	v1 =	vmul.f32 $1.131370830e+01, v1;
	(pc) =	sbr.rel @p0 .LBB2_3-.Ltmp0, $4  }
0x30: {  	v3 =	vld [tilespmem:s11+$0x1930];
	[tilespmem:s18+$0x1940] =	vst v0;
	v2 =	vmul.f32 $1.131370830e+01, v2  }
0x31: {  	v0 =	vld [tilespmem:s11+$0x1940];
	[tilespmem:s18+$0x1950] =	vst v1;
	v8 =	vmul.f32 $1.131370830e+01, v6  }
0x32: {  	v6 =	vmul.f32 $1.131370830e+01, v7;
	v1 =	vld [tilespmem:s11+$0x1950];
	[tilespmem:s18+$0x1960] =	vst v2  }
0x33: {  	s7 =	sadd.s32 $0x200, s7;
	v5 =	vmul.f32 $1.131370830e+01, v5;
	v2 =	vld [tilespmem:s11+$0x1960];
	[tilespmem:s18+$0x1970] =	vst v8;
	s18 =	smov.u32 s11  }
0x34: {  	[tilespmem:s18+$0x1900] =	vst v6;
	v4 =	vmul.f32 $1.131370830e+01, v4;
	v6 =	vld [tilespmem:s18+$0x1970]  }
0x35: {  	[tilespmem:s18+$0x1910] =	vst v5;
	v3 =	vmul.f32 $1.131370830e+01, v3  }
0x36: {  	[tilespmem:s18+$0x1920] =	vst v4;
	v0 =	vmul.f32 $1.131370830e+01, v0  }
0x37: {  	s7 =	smul.u32 $0x280, s0;
	[tilespmem:s18+$0x1930] =	vst v3;
	v1 =	vmul.f32 $1.131370830e+01, v1  }
0x38: {  	[tilespmem:s18+$0x1940] =	vst v0;
	v0 =	vmul.f32 $1.131370830e+01, v2  }
0x39: {  	s11 =	sadd.s32 s4, s7;
	[tilespmem:s18+$0x1950] =	vst v1;
	v1 =	vmul.f32 $1.131370830e+01, v6  }
0x3a: {  	s11 =	sshll.u32 s11, $0x4;
	[tilespmem:s18+$0x1960] =	vst v0  }
0x3b: {  	p0 =	seq.s32 s0, $0x9;
	s11 =	sadd.s32 s3, s11;
	[tilespmem:s18+$0x1970] =	vst v1  }
0x3c: {  	[hbm4b:s11+s5] =	stream.linear.scatter [tilespmem:s14], [sflag:$0x6], $0x4000, $0x38;
	[tilespmem:$0x15900] =	vst v63  }
0x3d: {  	s12 =	smul.u32 @!p0 $0xA00, s0;
	s11 =	simm.s32 @!p0 $0x6  }
0x3e: {  	_ =	swait.ge @!p0 [sflag:s11], $0x4000  }
0x3f: {  	s26 =	simm.s32 @!p0 $0x1900;
	s18 =	sshra.s32 @!p0 s12, $0x2;
	[sflag:s11] =	ssyncset.done @!p0 $0x0  }
0x40: {  	s12 =	simm.s32 @!p0 $0x80;
	[sflag:s11] =	ssyncadd.s32 @!p0 $0xFFFFC000;
	s11 =	sadd.s32 @!p0 $0x280, s18  }
0x41: {  	[tilespmem:s26], [sflag:$0x1] =	stream.indirect.gather @!p0 [hbm4b:s1+s12], $0x80, s11, s12, $0xb8;
	[tilespmem:$0x15900] =	vst v63  }
0x42: {  	_ =	swait.ge [sflag:s22], $0x4000  }
0x43: {  	[sflag:s22] =	ssyncset.done $0x0  }
0x44: {  	s11 =	simm.s32 $0x0;
	[sflag:s22] =	ssyncadd.s32 $0xFFFFC000  }
0x45: {  	v3 =	vld [tilespmem:s11+$0x5900]  }
0x46: {  	v5 =	vld [tilespmem:s11+$0x5910]  }
0x47: {  	v4 =	vld [tilespmem:s11+$0x5920]  }
0x48: {  	v2 =	vld [tilespmem:s11+$0x5930]  }
0x49: {  	v0 =	vld [tilespmem:s11+$0x5940]  }
0x4a: {  	v1 =	vld [tilespmem:s11+$0x5950];
	v6 =	vmul.f32 $1.131370830e+01, v3  }
0x4b: {  	s12 =	simm.s32 $0x200;
	v5 =	vmul.f32 $1.131370830e+01, v5;
	v3 =	vld [tilespmem:s11+$0x5960]  }
.LBB2_5:
0x4c: {  	s26 =	sshra.s32 s12, $0x2;
	p1 =	sne.s32 s12, $0xFE00;
	[tilespmem:s11+$0x5900] =	vst v6;
	v4 =	vmul.f32 $1.131370830e+01, v4;
	v6 =	vld [tilespmem:s11+$0x5970]  }
0x4d: {  	v7 =	vld [tilespmem:s26+$0x5900];
	[tilespmem:s11+$0x5910] =	vst v5;
	v2 =	vmul.f32 $1.131370830e+01, v2  }
0x4e: {  	v5 =	vld [tilespmem:s26+$0x5910];
	[tilespmem:s11+$0x5920] =	vst v4;
	v0 =	vmul.f32 $1.131370830e+01, v0  }
.Ltmp1:
0x4f: {  	v4 =	vld [tilespmem:s26+$0x5920];
	[tilespmem:s11+$0x5930] =	vst v2;
	v1 =	vmul.f32 $1.131370830e+01, v1;
	(pc) =	sbr.rel @p1 .LBB2_5-.Ltmp1, $4  }
0x50: {  	v2 =	vld [tilespmem:s26+$0x5930];
	[tilespmem:s11+$0x5940] =	vst v0;
	v3 =	vmul.f32 $1.131370830e+01, v3  }
0x51: {  	v0 =	vld [tilespmem:s26+$0x5940];
	[tilespmem:s11+$0x5950] =	vst v1;
	v8 =	vmul.f32 $1.131370830e+01, v6  }
0x52: {  	v6 =	vmul.f32 $1.131370830e+01, v7;
	v1 =	vld [tilespmem:s26+$0x5950];
	[tilespmem:s11+$0x5960] =	vst v3  }
0x53: {  	s12 =	sadd.s32 $0x200, s12;
	v5 =	vmul.f32 $1.131370830e+01, v5;
	v3 =	vld [tilespmem:s26+$0x5960];
	[tilespmem:s11+$0x5970] =	vst v8;
	s11 =	smov.u32 s26  }
0x54: {  	[tilespmem:s11+$0x5900] =	vst v6;
	v4 =	vmul.f32 $1.131370830e+01, v4;
	v6 =	vld [tilespmem:s11+$0x5970]  }
0x55: {  	[tilespmem:s11+$0x5910] =	vst v5;
	v2 =	vmul.f32 $1.131370830e+01, v2  }
0x56: {  	[tilespmem:s11+$0x5920] =	vst v4;
	v0 =	vmul.f32 $1.131370830e+01, v0  }
0x57: {  	[tilespmem:s11+$0x5930] =	vst v2;
	v1 =	vmul.f32 $1.131370830e+01, v1  }
0x58: {  	[tilespmem:s11+$0x5940] =	vst v0;
	v0 =	vmul.f32 $1.131370830e+01, v3  }
0x59: {  	s7 =	sadd.s32 s7, s8;
	[tilespmem:s11+$0x5950] =	vst v1;
	v1 =	vmul.f32 $1.131370830e+01, v6  }
0x5a: {  	s7 =	sshll.u32 s7, $0x4;
	[tilespmem:s11+$0x5960] =	vst v0  }
0x5b: {  	s7 =	sadd.s32 s3, s7;
	[tilespmem:s11+$0x5970] =	vst v1  }
0x5c: {  	[hbm4b:s7+s5] =	stream.linear.scatter [tilespmem:s15], [sflag:$0x7], $0x4000, $0x38;
	[tilespmem:$0x15900] =	vst v63  }
0x5d: {  	s7 =	simm.s32 @!p0 $0x7  }
0x5e: {  	_ =	swait.ge @!p0 [sflag:s7], $0x4000  }
0x5f: {  	s12 =	simm.s32 @!p0 $0x5900;
	[sflag:s7] =	ssyncset.done @!p0 $0x0  }
0x60: {  	s11 =	simm.s32 @!p0 $0x80;
	[sflag:s7] =	ssyncadd.s32 @!p0 $0xFFFFC000;
	s7 =	sadd.s32 @!p0 $0x300, s18  }
0x61: {  	[tilespmem:s12], [sflag:$0x2] =	stream.indirect.gather @!p0 [hbm4b:s1+s11], $0x80, s7, s11, $0xb8;
	[tilespmem:$0x15900] =	vst v63  }
0x62: {  	_ =	swait.ge [sflag:s23], $0x4000  }
0x63: {  	[sflag:s23] =	ssyncset.done $0x0  }
0x64: {  	s11 =	simm.s32 $0x0;
	[sflag:s23] =	ssyncadd.s32 $0xFFFFC000  }
0x65: {  	v2 =	vld [tilespmem:s11+$0x9900]  }
0x66: {  	v5 =	vld [tilespmem:s11+$0x9910]  }
0x67: {  	v4 =	vld [tilespmem:s11+$0x9920]  }
0x68: {  	v3 =	vld [tilespmem:s11+$0x9930]  }
0x69: {  	v0 =	vld [tilespmem:s11+$0x9940]  }
0x6a: {  	v1 =	vld [tilespmem:s11+$0x9950];
	v6 =	vmul.f32 $1.131370830e+01, v2  }
0x6b: {  	s7 =	simm.s32 $0x200;
	v5 =	vmul.f32 $1.131370830e+01, v5;
	v2 =	vld [tilespmem:s11+$0x9960]  }
.LBB2_7:
0x6c: {  	s12 =	sshra.s32 s7, $0x2;
	p1 =	sne.s32 s7, $0xFE00;
	[tilespmem:s11+$0x9900] =	vst v6;
	v4 =	vmul.f32 $1.131370830e+01, v4;
	v6 =	vld [tilespmem:s11+$0x9970]  }
0x6d: {  	v7 =	vld [tilespmem:s12+$0x9900];
	[tilespmem:s11+$0x9910] =	vst v5;
	v3 =	vmul.f32 $1.131370830e+01, v3  }
0x6e: {  	v5 =	vld [tilespmem:s12+$0x9910];
	[tilespmem:s11+$0x9920] =	vst v4;
	v0 =	vmul.f32 $1.131370830e+01, v0  }
.Ltmp2:
0x6f: {  	v4 =	vld [tilespmem:s12+$0x9920];
	[tilespmem:s11+$0x9930] =	vst v3;
	v1 =	vmul.f32 $1.131370830e+01, v1;
	(pc) =	sbr.rel @p1 .LBB2_7-.Ltmp2, $4  }
0x70: {  	v3 =	vld [tilespmem:s12+$0x9930];
	[tilespmem:s11+$0x9940] =	vst v0;
	v2 =	vmul.f32 $1.131370830e+01, v2  }
0x71: {  	v0 =	vld [tilespmem:s12+$0x9940];
	[tilespmem:s11+$0x9950] =	vst v1;
	v8 =	vmul.f32 $1.131370830e+01, v6  }
0x72: {  	v6 =	vmul.f32 $1.131370830e+01, v7;
	v1 =	vld [tilespmem:s12+$0x9950];
	[tilespmem:s11+$0x9960] =	vst v2  }
0x73: {  	s7 =	sadd.s32 $0x200, s7;
	v5 =	vmul.f32 $1.131370830e+01, v5;
	v2 =	vld [tilespmem:s12+$0x9960];
	[tilespmem:s11+$0x9970] =	vst v8;
	s11 =	smov.u32 s12  }
0x74: {  	[tilespmem:s11+$0x9900] =	vst v6;
	v4 =	vmul.f32 $1.131370830e+01, v4;
	v6 =	vld [tilespmem:s11+$0x9970]  }
0x75: {  	[tilespmem:s11+$0x9910] =	vst v5;
	v3 =	vmul.f32 $1.131370830e+01, v3  }
0x76: {  	[tilespmem:s11+$0x9920] =	vst v4;
	v0 =	vmul.f32 $1.131370830e+01, v0  }
0x77: {  	s7 =	smul.u32 $0x14000, s0;
	[tilespmem:s11+$0x9930] =	vst v3;
	v1 =	vmul.f32 $1.131370830e+01, v1  }
0x78: {  	[tilespmem:s11+$0x9940] =	vst v0;
	v0 =	vmul.f32 $1.131370830e+01, v2  }
0x79: {  	s12 =	sadd.s32 s9, s7;
	[tilespmem:s11+$0x9950] =	vst v1;
	v1 =	vmul.f32 $1.131370830e+01, v6  }
0x7a: {  	s12 =	sshrl.u32 s12, $0x3;
	[tilespmem:s11+$0x9960] =	vst v0  }
0x7b: {  	s26 =	sadd.s32 s3, s12;
	[tilespmem:s11+$0x9970] =	vst v1;
	s11 =	simm.s32 @!p0 $0x8  }
0x7c: {  	[hbm4b:s26+s5] =	stream.linear.scatter [tilespmem:s17], [sflag:$0x8], $0x4000, $0x38;
	[tilespmem:$0x15900] =	vst v63  }
0x7d: {  	_ =	swait.ge @!p0 [sflag:s11], $0x4000  }
0x7e: {  	s12 =	simm.s32 @!p0 $0x80;
	[sflag:s11] =	ssyncset.done @!p0 $0x0  }
0x7f: {  	s26 =	simm.s32 @!p0 $0x9900;
	[sflag:s11] =	ssyncadd.s32 @!p0 $0xFFFFC000;
	s11 =	sadd.s32 @!p0 $0x380, s18  }
0x80: {  	[tilespmem:s26], [sflag:$0x3] =	stream.indirect.gather @!p0 [hbm4b:s1+s12], $0x80, s11, s12, $0xb8;
	[tilespmem:$0x15900] =	vst v63  }
0x81: {  	_ =	swait.ge [sflag:s24], $0x4000  }
0x82: {  	[sflag:s24] =	ssyncset.done $0x0  }
0x83: {  	s11 =	simm.s32 $0x0;
	[sflag:s24] =	ssyncadd.s32 $0xFFFFC000  }
0x84: {  	v3 =	vld [tilespmem:s11+$0xD900]  }
0x85: {  	v5 =	vld [tilespmem:s11+$0xD910]  }
0x86: {  	v4 =	vld [tilespmem:s11+$0xD920]  }
0x87: {  	v2 =	vld [tilespmem:s11+$0xD930]  }
0x88: {  	v0 =	vld [tilespmem:s11+$0xD940]  }
0x89: {  	v1 =	vld [tilespmem:s11+$0xD950];
	v6 =	vmul.f32 $1.131370830e+01, v3  }
0x8a: {  	s12 =	simm.s32 $0x200;
	v5 =	vmul.f32 $1.131370830e+01, v5;
	v3 =	vld [tilespmem:s11+$0xD960]  }
.LBB2_9:
0x8b: {  	s26 =	sshra.s32 s12, $0x2;
	p1 =	sne.s32 s12, $0xFE00;
	[tilespmem:s11+$0xD900] =	vst v6;
	v4 =	vmul.f32 $1.131370830e+01, v4;
	v6 =	vld [tilespmem:s11+$0xD970]  }
0x8c: {  	v7 =	vld [tilespmem:s26+$0xD900];
	[tilespmem:s11+$0xD910] =	vst v5;
	v2 =	vmul.f32 $1.131370830e+01, v2  }
0x8d: {  	v5 =	vld [tilespmem:s26+$0xD910];
	[tilespmem:s11+$0xD920] =	vst v4;
	v0 =	vmul.f32 $1.131370830e+01, v0  }
.Ltmp3:
0x8e: {  	v4 =	vld [tilespmem:s26+$0xD920];
	[tilespmem:s11+$0xD930] =	vst v2;
	v1 =	vmul.f32 $1.131370830e+01, v1;
	(pc) =	sbr.rel @p1 .LBB2_9-.Ltmp3, $4  }
0x8f: {  	v2 =	vld [tilespmem:s26+$0xD930];
	[tilespmem:s11+$0xD940] =	vst v0;
	v3 =	vmul.f32 $1.131370830e+01, v3  }
0x90: {  	v0 =	vld [tilespmem:s26+$0xD940];
	[tilespmem:s11+$0xD950] =	vst v1;
	v8 =	vmul.f32 $1.131370830e+01, v6  }
0x91: {  	v6 =	vmul.f32 $1.131370830e+01, v7;
	v1 =	vld [tilespmem:s26+$0xD950];
	[tilespmem:s11+$0xD960] =	vst v3  }
0x92: {  	s12 =	sadd.s32 $0x200, s12;
	v5 =	vmul.f32 $1.131370830e+01, v5;
	v3 =	vld [tilespmem:s26+$0xD960];
	[tilespmem:s11+$0xD970] =	vst v8;
	s11 =	smov.u32 s26  }
0x93: {  	[tilespmem:s11+$0xD900] =	vst v6;
	v4 =	vmul.f32 $1.131370830e+01, v4;
	v6 =	vld [tilespmem:s11+$0xD970]  }
0x94: {  	[tilespmem:s11+$0xD910] =	vst v5;
	v2 =	vmul.f32 $1.131370830e+01, v2  }
0x95: {  	[tilespmem:s11+$0xD920] =	vst v4;
	v0 =	vmul.f32 $1.131370830e+01, v0  }
0x96: {  	[tilespmem:s11+$0xD930] =	vst v2;
	v1 =	vmul.f32 $1.131370830e+01, v1  }
0x97: {  	[tilespmem:s11+$0xD940] =	vst v0;
	v0 =	vmul.f32 $1.131370830e+01, v3  }
0x98: {  	s7 =	sadd.s32 s10, s7;
	[tilespmem:s11+$0xD950] =	vst v1;
	v1 =	vmul.f32 $1.131370830e+01, v6  }
0x99: {  	s7 =	sshrl.u32 s7, $0x3;
	[tilespmem:s11+$0xD960] =	vst v0  }
0x9a: {  	s7 =	sadd.s32 s3, s7;
	[tilespmem:s11+$0xD970] =	vst v1  }
0x9b: {  	[hbm4b:s7+s5] =	stream.linear.scatter [tilespmem:s19], [sflag:$0x9], $0x4000, $0x38;
	[tilespmem:$0x15900] =	vst v63  }
0x9c: {  	s7 =	simm.s32 @!p0 $0x9  }
0x9d: {  	_ =	swait.ge @!p0 [sflag:s7], $0x4000  }
0x9e: {  	s12 =	simm.s32 @!p0 $0xD900;
	[sflag:s7] =	ssyncset.done @!p0 $0x0  }
0x9f: {  	s11 =	simm.s32 @!p0 $0x80;
	[sflag:s7] =	ssyncadd.s32 @!p0 $0xFFFFC000;
	s7 =	sadd.s32 @!p0 $0x400, s18  }
0xa0: {  	[tilespmem:s12], [sflag:$0x4] =	stream.indirect.gather @!p0 [hbm4b:s1+s11], $0x80, s7, s11, $0xb8;
	[tilespmem:$0x15900] =	vst v63  }
0xa1: {  	_ =	swait.ge [sflag:s25], $0x4000  }
0xa2: {  	[sflag:s25] =	ssyncset.done $0x0  }
0xa3: {  	s7 =	simm.s32 $0x0;
	[sflag:s25] =	ssyncadd.s32 $0xFFFFC000  }
0xa4: {  	v3 =	vld [tilespmem:s7+$0x11900]  }
0xa5: {  	v5 =	vld [tilespmem:s7+$0x11910]  }
0xa6: {  	v4 =	vld [tilespmem:s7+$0x11920]  }
0xa7: {  	v2 =	vld [tilespmem:s7+$0x11930]  }
0xa8: {  	v0 =	vld [tilespmem:s7+$0x11940]  }
0xa9: {  	v1 =	vld [tilespmem:s7+$0x11950];
	v6 =	vmul.f32 $1.131370830e+01, v3  }
0xaa: {  	s11 =	simm.s32 $0x200;
	v5 =	vmul.f32 $1.131370830e+01, v5;
	v3 =	vld [tilespmem:s7+$0x11960]  }
.LBB2_11:
0xab: {  	s12 =	sshra.s32 s11, $0x2;
	p0 =	sne.s32 s11, $0xFE00;
	[tilespmem:s7+$0x11900] =	vst v6;
	v4 =	vmul.f32 $1.131370830e+01, v4;
	v6 =	vld [tilespmem:s7+$0x11970]  }
0xac: {  	v7 =	vld [tilespmem:s12+$0x11900];
	[tilespmem:s7+$0x11910] =	vst v5;
	v2 =	vmul.f32 $1.131370830e+01, v2  }
0xad: {  	v5 =	vld [tilespmem:s12+$0x11910];
	[tilespmem:s7+$0x11920] =	vst v4;
	v0 =	vmul.f32 $1.131370830e+01, v0  }
.Ltmp4:
0xae: {  	v4 =	vld [tilespmem:s12+$0x11920];
	[tilespmem:s7+$0x11930] =	vst v2;
	v1 =	vmul.f32 $1.131370830e+01, v1;
	(pc) =	sbr.rel @p0 .LBB2_11-.Ltmp4, $4  }
0xaf: {  	v2 =	vld [tilespmem:s12+$0x11930];
	[tilespmem:s7+$0x11940] =	vst v0;
	v3 =	vmul.f32 $1.131370830e+01, v3  }
0xb0: {  	v0 =	vld [tilespmem:s12+$0x11940];
	[tilespmem:s7+$0x11950] =	vst v1;
	v8 =	vmul.f32 $1.131370830e+01, v6  }
0xb1: {  	v6 =	vmul.f32 $1.131370830e+01, v7;
	v1 =	vld [tilespmem:s12+$0x11950];
	[tilespmem:s7+$0x11960] =	vst v3  }
0xb2: {  	s11 =	sadd.s32 $0x200, s11;
	v5 =	vmul.f32 $1.131370830e+01, v5;
	v3 =	vld [tilespmem:s12+$0x11960];
	[tilespmem:s7+$0x11970] =	vst v8;
	s7 =	smov.u32 s12  }
0xb3: {  	[tilespmem:s7+$0x11900] =	vst v6;
	v4 =	vmul.f32 $1.131370830e+01, v4;
	v61 =	vld [tilespmem:s7+$0x11970]  }
0xb4: {  	[tilespmem:s7+$0x11910] =	vst v5;
	v2 =	vmul.f32 $1.131370830e+01, v2  }
0xb5: {  	s0 =	sadd.s32 $0x1, s0;
	[tilespmem:s7+$0x11920] =	vst v4;
	v0 =	vmul.f32 $1.131370830e+01, v0  }
0xb6: {  	p0 =	sne.s32 s0, $0xA;
	[tilespmem:s7+$0x11930] =	vst v2;
	v1 =	vmul.f32 $1.131370830e+01, v1  }
.Ltmp5:
0xb7: {  	s11 =	sshll.u32 s16, $0xE;
	[tilespmem:s7+$0x11940] =	vst v0;
	v62 =	vmul.f32 $1.131370830e+01, v3;
	(pc) =	sbr.rel @p0 .LBB2_2-.Ltmp5, $4  }
0xb8: {  	s11 =	sadd.s32 s6, s11;
	[tilespmem:s7+$0x11950] =	vst v1;
	v63 =	vmul.f32 $1.131370830e+01, v61  }
0xb9: {  	s11 =	sshrl.u32 s11, $0x3;
	[tilespmem:s7+$0x11960] =	vst v62  }
0xba: {  	s26 =	sadd.s32 s3, s11;
	[tilespmem:s7+$0x11970] =	vst v63  }
0xbb: {  	[hbm4b:s26+s5] =	stream.linear.scatter [tilespmem:s20], [sflag:$0xA], $0x4000, $0x38;
	[tilespmem:$0x15900] =	vst v63  }
0xbc: {  	s0 =	simm.s32 $0x6  }
0xbd: {  	_ =	swait.ge [sflag:s0], $0x4000  }
0xbe: {  	[sflag:s0] =	ssyncset.done $0x0  }
0xbf: {  	[sflag:s0] =	ssyncadd.s32 $0xFFFFC000  }
0xc0: {  	_ =	swait.ge [sflag:s28], $0x4000  }
0xc1: {  	[sflag:s28] =	ssyncset.done $0x0  }
0xc2: {  	[sflag:s28] =	ssyncadd.s32 $0xFFFFC000  }
0xc3: {  	_ =	swait.ge [sflag:s29], $0x4000  }
0xc4: {  	[sflag:s29] =	ssyncset.done $0x0  }
0xc5: {  	[sflag:s29] =	ssyncadd.s32 $0xFFFFC000  }
0xc6: {  	_ =	swait.ge [sflag:s30], $0x4000  }
0xc7: {  	[sflag:s30] =	ssyncset.done $0x0  }
0xc8: {  	[sflag:s30] =	ssyncadd.s32 $0xFFFFC000  }
0xc9: {  	_ =	swait.ge [sflag:s31], $0x4000  }
0xca: {  	s2 =	sadd.s32 $0x1, s2;
	s26 =	rddreg [dreg:$0x5]  }
0xcb: {  	p0 =	sne.s32 s2, s26  }
.Ltmp6:
0xcc: {  	_ = 	snop;
	(pc) =	sbr.rel @p0 .LBB2_1-.Ltmp6, $3  }
0xcd: {  	_ =	sdelay $0x1  }
0xce: {  	[sflag:s31] =	ssyncset.done $0x0  }
0xcf: {  	[sflag:s31] =	ssyncadd.s32 $0xFFFFC000  }
0xd0: {  	_ =	sfence.sel $0x180000  }
0xd1: {  	[bflag:$0x0] =	sbarrier.arrive $0xFFFF  }
0xd2: {  	_ =	strace $0x90000047  }
0xd3: {  	s0 =	stileid.u32;
	[bflag:$0x2] =	sbarrier.arrive $0xFFFF  }
0xd4: {  	p0 =	sne.s32 s0, $0x0;
	s0 =	rddreg [dreg:$0x3]  }
0xd5: {  	s0 =	sadd.s32 @!p0 $0x100000, s0  }
0xd6: {  	[sflag:s0] =	ssyncadd.tile.s32 @!p0 $0x1;
	_ =	shalt  }
.Lfunc_end2:
_tile_overlayer_lowered:
.L_overlay_start_2:
0xd7: {  	(tag) =	ssettag $0x2  }
0xd8: {  	s0 =	rddreg [dreg:$0x0];
	s2 =	stileid.u32  }
0xd9: {  	s1 =	rddreg [dreg:$0x1];
	p0 =	sne.s32 s2, $0x0  }
0xda: {  	s3 =	rddreg [dreg:$0x2];
	[bflag:$0x3] =	sbarrier.arrive $0xFFFF;
	s2 =	simm.s32 @!p0 $0x1C0B  }
0xdb: {  	[timem:s3], [sflag:s2] =	dma.local @!p0 [hbm:s0], s1  }
0xdc: {  	s0 =	simm.s32 @!p0 $0xB  }
0xdd: {  	_ =	swait.ge @!p0 [sflag:s0], s1  }
0xde: {  	s1 =	ssub.s32 @!p0 $0x0, s1;
	[sflag:s0] =	ssyncset.done @!p0 $0x0  }
0xdf: {  	[sflag:s0] =	ssyncadd.s32 @!p0 s1  }
0xe0: {  	[bflag:$0x3] =	sbarrier.arrive $0xFFFF  }
0xe1: {  	_ =	shalt  }

</sc_bundles>
